<compile_context>
chip_gen: v7x
topology: tpu7x:2x2x1
jax: 0.10.2.dev20260603
libtpu: 0.0.44.dev20260713+nightly
codegen_flags: <defaults>
</compile_context>

<pallas_src>
import functools

import jax
import jax.numpy as jnp
from jax import lax
from jax.experimental import pallas as pl
from jax.experimental.pallas import tpu as pltpu
from jax.experimental.pallas import tpu_sc as plsc

VOCAB = 100000
SEQ_LEN = 200
BATCH = 1024
NTOK = SEQ_LEN * BATCH

TOKEN_WAYS = 8
VOCAB_WAYS = 4
VOCAB_PAD = 102400
BINS_PER_TILE = VOCAB_PAD // VOCAB_WAYS
TOK_PER_TILE = NTOK // TOKEN_WAYS

CHUNK = 6400
NCHUNK = TOK_PER_TILE // CHUNK
VREGS_PER_CHUNK = CHUNK // 16

RB = 32
NSTEP = BATCH // RB


def _sc_histogram(src_flat):
    mesh = plsc.VectorSubcoreMesh(core_axis_name="c", subcore_axis_name="s")

    @functools.partial(
        pl.kernel,
        mesh=mesh,
        out_type=jax.ShapeDtypeStruct((TOKEN_WAYS * VOCAB_PAD,), jnp.float32),
        compiler_params=pltpu.CompilerParams(needs_layout_passes=False),
        scratch_types=[
            pltpu.VMEM((CHUNK,), jnp.int32),
            pltpu.VMEM((CHUNK,), jnp.int32),
            pltpu.VMEM((BINS_PER_TILE,), jnp.float32),
            pltpu.SemaphoreType.DMA,
            pltpu.SemaphoreType.DMA,
        ],
    )
    def hist_kernel(src_hbm, out_hbm, buf0, buf1, hist, sem0, sem1):
        c = lax.axis_index("c")
        s = lax.axis_index("s")
        wid = s * 2 + c
        g = wid // VOCAB_WAYS
        v = wid % VOCAB_WAYS
        base = v * BINS_PER_TILE
        tok0 = g * TOK_PER_TILE

        zeros16 = jnp.zeros((16,), jnp.float32)

        def zero_body(i, carry):
            hist[pl.ds(i * 16, 16)] = zeros16
            return carry

        lax.fori_loop(0, BINS_PER_TILE // 16, zero_body, 0)

        ones16 = jnp.ones((16,), jnp.float32)
        bufs = (buf0, buf1)
        sems = (sem0, sem1)

        copies = [None, None]
        copies[0] = pltpu.async_copy(
            src_hbm.at[pl.ds(tok0, CHUNK)], buf0, sem0)
        for ci in range(NCHUNK):
            if ci + 1 < NCHUNK:
                copies[(ci + 1) % 2] = pltpu.async_copy(
                    src_hbm.at[pl.ds(tok0 + (ci + 1) * CHUNK, CHUNK)],
                    bufs[(ci + 1) % 2],
                    sems[(ci + 1) % 2],
                )
            copies[ci % 2].wait()
            buf = bufs[ci % 2]

            def body(i, carry):
                tok = buf[pl.ds(i * 16, 16)]
                rel = tok - base
                mask = (rel >= 0) & (rel < BINS_PER_TILE)
                plsc.addupdate_scatter(hist, [rel], ones16, mask=mask)
                return carry

            lax.fori_loop(0, VREGS_PER_CHUNK, body, 0)

        pltpu.sync_copy(
            hist, out_hbm.at[pl.ds(g * VOCAB_PAD + base, BINS_PER_TILE)])

    return hist_kernel(src_flat).reshape(TOKEN_WAYS, VOCAB_PAD)


DEPTH = 4


def _tc_broadcast(hist_parts, ign):

    def body(ign_ref, hist_ref, out_ref, srcbuf, sems):
        summed = jnp.sum(hist_ref[...], axis=0, keepdims=True)
        cols = lax.broadcasted_iota(jnp.int32, (1, VOCAB_PAD), 1)
        ign_v = ign_ref[0]
        keep = (cols == ign_v) | (cols == 1) | (cols == 2)
        row = jnp.where(keep, 0.0, summed)
        srcbuf[...] = jnp.broadcast_to(row[:, :VOCAB], (RB, VOCAB))

        copies = []
        for j in range(NSTEP):
            cp = pltpu.make_async_copy(
                srcbuf, out_ref.at[pl.ds(j * RB, RB), :], sems.at[j % DEPTH])
            if j >= DEPTH:
                copies[j - DEPTH].wait()
            cp.start()
            copies.append(cp)
        for j in range(NSTEP - DEPTH, NSTEP):
            copies[j].wait()

    return pl.pallas_call(
        body,
        in_specs=[
            pl.BlockSpec(memory_space=pltpu.SMEM),
            pl.BlockSpec(memory_space=pltpu.VMEM),
        ],
        out_specs=pl.BlockSpec(memory_space=pl.ANY),
        out_shape=jax.ShapeDtypeStruct((BATCH, VOCAB), jnp.float32),
        scratch_shapes=[
            pltpu.VMEM((RB, VOCAB), jnp.float32),
            pltpu.SemaphoreType.DMA((DEPTH,)),
        ],
    )(ign, hist_parts)


def kernel(src, ignore_index):
    src_flat = src.reshape(-1)
    hist_parts = _sc_histogram(src_flat)
    ign = jnp.asarray(ignore_index, jnp.int32).reshape(1)
    return _tc_broadcast(hist_parts, ign)

# --- scband reference (transcript-rebuilt; emitter-appended) ---
"""Pipeline reference for scband-seq-to-bow-6914897347292 (READ-ONLY COPY).

The authoritative reference and input builder live on the scoring server;
editing this copy changes nothing except your own understanding.
"""

import jax, jax.numpy as jnp
import numpy as np

VOCAB = 100000
SOS_ID = 1
EOS_ID = 2
SEQ_LEN = 200
BATCH = 1024


def setup_inputs(seed: int = 0) -> dict:
    key = jax.random.key(seed)
    src = jax.random.randint(key, (SEQ_LEN, BATCH), 0, VOCAB, dtype=jnp.int32)
    return {"src": src, "ignore_index": 0}


def reference(src, ignore_index):
    # src: [seq_len, batch] int token ids
    S, B = src.shape
    srcT = src.T  # [batch, seq_len]
    counts = jnp.zeros((B, VOCAB), dtype=jnp.float32)
    rows = jnp.arange(B, dtype=src.dtype)[:, None]
    # scatter_add of ones: per-row bag-of-words counts
    counts = counts.at[rows, srcT].add(1.0)
    # zero out padding index
    counts = counts.at[:, ignore_index].set(0.0)
    # GROUP encoding: sum over batch, then repeat for every row
    summed = jnp.sum(counts, axis=0)
    out = jnp.tile(summed[None, :], (B, 1))
    # zero out <sos> and <eos>
    out = out.at[:, SOS_ID].set(0.0)
    out = out.at[:, EOS_ID].set(0.0)
    return out

if __name__ == "__main__":
    import jax
    _d = setup_inputs()
    print(jax.jit(kernel)(*tuple(_d.values())))

</pallas_src>

<mosaic_0001>
#map = affine_map<(d0, d1) -> (0)>
module attributes {stable_mosaic.version = 14 : i64} {
  func.func @hist_kernel(%arg0: i32, %arg1: i32, %arg2: memref<204800xi32, #tpu.memory_space<hbm>>, %arg3: memref<819200xf32, #tpu.memory_space<hbm>>, %arg4: memref<6400xi32, #tpu.memory_space<vmem>>, %arg5: memref<6400xi32, #tpu.memory_space<vmem>>, %arg6: memref<25600xf32, #tpu.memory_space<vmem>>, %arg7: memref<!tpu.dma_semaphore, #tpu.memory_space<semaphore_mem>>, %arg8: memref<!tpu.dma_semaphore, #tpu.memory_space<semaphore_mem>>) attributes {dimension_semantics = [#tpu.dimension_semantics<core_parallel>, #tpu.dimension_semantics<subcore_parallel>], iteration_bounds = array<i64: 2, 16>, scalar_prefetch = 0 : i64, scratch_operands = 5 : i64, tpu.core_type = #tpu.core_type<sc_vector_subcore>, window_params = [{transform_indices = #map}, {transform_indices = #map}]} {
    %mul3A = arith.constant 2 : i32
    %mul3A_0 = arith.muli %arg1, %mul3A : i32
    %add3A = arith.addi %mul3A_0, %arg0 : i32
    %jit3A = arith.constant 4 : i32
    %div3A = arith.divsi %add3A, %jit3A : i32
    %sign3A = arith.constant 0 : i32
    %sign3A_1 = arith.cmpi sgt, %add3A, %sign3A : i32
    %sign3A_2 = arith.extui %sign3A_1 : i1 to i32
    %sign3A_3 = arith.constant 0 : i32
    %sign3A_4 = arith.cmpi slt, %add3A, %sign3A_3 : i32
    %sign3A_5 = arith.extui %sign3A_4 : i1 to i32
    %sign3A_6 = arith.subi %sign3A_2, %sign3A_5 : i32
    %sign3A_7 = arith.constant 0 : i32
    %sign3A_8 = arith.cmpi sgt, %jit3A, %sign3A_7 : i32
    %sign3A_9 = arith.extui %sign3A_8 : i1 to i32
    %sign3A_10 = arith.constant 0 : i32
    %sign3A_11 = arith.cmpi slt, %jit3A, %sign3A_10 : i32
    %sign3A_12 = arith.extui %sign3A_11 : i1 to i32
    %sign3A_13 = arith.subi %sign3A_9, %sign3A_12 : i32
    %ne3A = arith.cmpi ne, %sign3A_6, %sign3A_13 : i32
    %rem3A = arith.remsi %add3A, %jit3A : i32
    %ne3A_14 = arith.constant 0 : i32
    %ne3A_15 = arith.cmpi ne, %rem3A, %ne3A_14 : i32
    %and3A = arith.andi %ne3A, %ne3A_15 : i1
    %sub3A = arith.constant 1 : i32
    %sub3A_16 = arith.subi %div3A, %sub3A : i32
    %select_n3A = arith.select %and3A, %sub3A_16, %div3A : i32
    %jit3A_17 = arith.constant 4 : i32
    %eq3A = arith.constant 0 : i32
    %eq3A_18 = arith.cmpi eq, %jit3A_17, %eq3A : i32
    %jit3A_19 = arith.constant 1 : i32
    %select_n3A_20 = arith.select %eq3A_18, %jit3A_19, %jit3A_17 : i32
    %rem3A_21 = arith.remsi %add3A, %select_n3A_20 : i32
    %ne3A_22 = arith.constant 0 : i32
    %ne3A_23 = arith.cmpi ne, %rem3A_21, %ne3A_22 : i32
    %lt3A = arith.constant 0 : i32
    %lt3A_24 = arith.cmpi slt, %rem3A_21, %lt3A : i32
    %lt3A_25 = arith.constant 0 : i32
    %lt3A_26 = arith.cmpi slt, %select_n3A_20, %lt3A_25 : i32
    %ne3A_27 = arith.xori %lt3A_24, %lt3A_26 : i1
    %and3A_28 = arith.andi %ne3A_27, %ne3A_23 : i1
    %add3A_29 = arith.addi %rem3A_21, %select_n3A_20 : i32
    %select_n3A_30 = arith.select %and3A_28, %add3A_29, %rem3A_21 : i32
    %mul3A_31 = arith.constant 25600 : i32
    %mul3A_32 = arith.muli %select_n3A_30, %mul3A_31 : i32
    %mul3A_33 = arith.constant 25600 : i32
    %mul3A_34 = arith.muli %select_n3A, %mul3A_33 : i32
    %broadcast_in_dim3A = arith.constant 0.000000e+00 : f32
    %broadcast_in_dim3A_35 = vector.broadcast %broadcast_in_dim3A : f32 to vector<16xf32>
    %scan3A = arith.constant 0 : i32
    %scan3A_36 = arith.constant 0 : i32
    %scan3A_37 = arith.constant 1600 : i32
    %scan3A_38 = arith.addi %scan3A_36, %scan3A_37 : i32
    %scan3A_39 = arith.constant 1 : i32
    scf.for %scan3A_90 = %scan3A_36 to %scan3A_38 step %scan3A_39  : i32 {
      %mul3A_91 = arith.constant 16 : i32
      %mul3A_92 = arith.muli %scan3A_90, %mul3A_91 : i32
      %swap3A = arith.index_cast %mul3A_92 : i32 to index
      %swap3A_93 = tpu.vector_load %arg6[%swap3A] {strides = array<i32>} : memref<25600xf32, #tpu.memory_space<vmem>>, vector<16xf32>,
      tpu.vector_store %arg6[%swap3A], %broadcast_in_dim3A_35 {strides = array<i32>} : memref<25600xf32, #tpu.memory_space<vmem>>, vector<16xf32>,
    }
    %scan3A_40 = arith.constant 1600 : i32
    %broadcast_in_dim3A_41 = arith.constant 1.000000e+00 : f32
    %broadcast_in_dim3A_42 = vector.broadcast %broadcast_in_dim3A_41 : f32 to vector<16xf32>
    %dma_start3A = tpu.memref_slice %arg2[%mul3A_34] : memref<204800xi32, #tpu.memory_space<hbm>> -> memref<6400xi32, #tpu.memory_space<hbm>>
    %dma_start3A_43 = tpu.memref_slice %arg2[%mul3A_34] : memref<204800xi32, #tpu.memory_space<hbm>> -> memref<6400xi32, #tpu.memory_space<hbm>>
    tpu.enqueue_dma source(%dma_start3A_43 : memref<6400xi32, #tpu.memory_space<hbm>>) target(%arg4 : memref<6400xi32, #tpu.memory_space<vmem>>) target_semaphore(%arg7 : memref<!tpu.dma_semaphore, #tpu.memory_space<semaphore_mem>>)
    %add3A_44 = arith.constant 6400 : i32
    %add3A_45 = arith.addi %mul3A_34, %add3A_44 : i32
    %dma_start3A_46 = tpu.memref_slice %arg2[%add3A_45] : memref<204800xi32, #tpu.memory_space<hbm>> -> memref<6400xi32, #tpu.memory_space<hbm>>
    %dma_start3A_47 = tpu.memref_slice %arg2[%add3A_45] : memref<204800xi32, #tpu.memory_space<hbm>> -> memref<6400xi32, #tpu.memory_space<hbm>>
    tpu.enqueue_dma source(%dma_start3A_47 : memref<6400xi32, #tpu.memory_space<hbm>>) target(%arg5 : memref<6400xi32, #tpu.memory_space<vmem>>) target_semaphore(%arg8 : memref<!tpu.dma_semaphore, #tpu.memory_space<semaphore_mem>>)
    %dma_wait3A = tpu.memref_slice %arg2[%mul3A_34] : memref<204800xi32, #tpu.memory_space<hbm>> -> memref<6400xi32, #tpu.memory_space<hbm>>
    %dma_wait3A_48 = tpu.memref_slice %arg2[%mul3A_34] : memref<204800xi32, #tpu.memory_space<hbm>> -> memref<6400xi32, #tpu.memory_space<hbm>>
    tpu.wait_dma2 semaphore(%arg7 : memref<!tpu.dma_semaphore, #tpu.memory_space<semaphore_mem>>) src(%dma_wait3A_48 : memref<6400xi32, #tpu.memory_space<hbm>>) dst(%arg4 : memref<6400xi32, #tpu.memory_space<vmem>>)
    %scan3A_49 = arith.constant 0 : i32
    %scan3A_50 = arith.constant 0 : i32
    %scan3A_51 = arith.constant 400 : i32
    %scan3A_52 = arith.addi %scan3A_50, %scan3A_51 : i32
    %scan3A_53 = arith.constant 1 : i32
    scf.for %scan3A_90 = %scan3A_50 to %scan3A_52 step %scan3A_53  : i32 {
      %mul3A_91 = arith.constant 16 : i32
      %mul3A_92 = arith.muli %scan3A_90, %mul3A_91 : i32
      %get3A = arith.index_cast %mul3A_92 : i32 to index
      %get3A_93 = tpu.vector_load %arg4[%get3A] {strides = array<i32>} : memref<6400xi32, #tpu.memory_space<vmem>>, vector<16xi32>,
      %sub3A_94 = vector.broadcast %mul3A_32 : i32 to vector<16xi32>
      %sub3A_95 = arith.subi %get3A_93, %sub3A_94 : vector<16xi32>
      %ge3A = arith.constant 0 : i32
      %ge3A_96 = vector.broadcast %ge3A : i32 to vector<16xi32>
      %ge3A_97 = arith.cmpi sge, %sub3A_95, %ge3A_96 : vector<16xi32>
      %lt3A_98 = arith.constant 25600 : i32
      %lt3A_99 = vector.broadcast %lt3A_98 : i32 to vector<16xi32>
      %lt3A_100 = arith.cmpi slt, %sub3A_95, %lt3A_99 : vector<16xi32>
      %and3A_101 = arith.andi %ge3A_97, %lt3A_100 : vector<16xi1>
      tpu.vector_store_idx %arg6[%sub3A_95], %broadcast_in_dim3A_42 masked %and3A_101 {add = true} : memref<25600xf32, #tpu.memory_space<vmem>>[vector<16xi32>], vector<16xf32>, vector<16xi1>
    }
    %scan3A_54 = arith.constant 400 : i32
    %add3A_55 = arith.constant 12800 : i32
    %add3A_56 = arith.addi %mul3A_34, %add3A_55 : i32
    %dma_start3A_57 = tpu.memref_slice %arg2[%add3A_56] : memref<204800xi32, #tpu.memory_space<hbm>> -> memref<6400xi32, #tpu.memory_space<hbm>>
    %dma_start3A_58 = tpu.memref_slice %arg2[%add3A_56] : memref<204800xi32, #tpu.memory_space<hbm>> -> memref<6400xi32, #tpu.memory_space<hbm>>
    tpu.enqueue_dma source(%dma_start3A_58 : memref<6400xi32, #tpu.memory_space<hbm>>) target(%arg4 : memref<6400xi32, #tpu.memory_space<vmem>>) target_semaphore(%arg7 : memref<!tpu.dma_semaphore, #tpu.memory_space<semaphore_mem>>)
    %dma_wait3A_59 = tpu.memref_slice %arg2[%add3A_45] : memref<204800xi32, #tpu.memory_space<hbm>> -> memref<6400xi32, #tpu.memory_space<hbm>>
    %dma_wait3A_60 = tpu.memref_slice %arg2[%add3A_45] : memref<204800xi32, #tpu.memory_space<hbm>> -> memref<6400xi32, #tpu.memory_space<hbm>>
    tpu.wait_dma2 semaphore(%arg8 : memref<!tpu.dma_semaphore, #tpu.memory_space<semaphore_mem>>) src(%dma_wait3A_60 : memref<6400xi32, #tpu.memory_space<hbm>>) dst(%arg5 : memref<6400xi32, #tpu.memory_space<vmem>>)
    %scan3A_61 = arith.constant 0 : i32
    %scan3A_62 = arith.constant 0 : i32
    %scan3A_63 = arith.constant 400 : i32
    %scan3A_64 = arith.addi %scan3A_62, %scan3A_63 : i32
    %scan3A_65 = arith.constant 1 : i32
    scf.for %scan3A_90 = %scan3A_62 to %scan3A_64 step %scan3A_65  : i32 {
      %mul3A_91 = arith.constant 16 : i32
      %mul3A_92 = arith.muli %scan3A_90, %mul3A_91 : i32
      %get3A = arith.index_cast %mul3A_92 : i32 to index
      %get3A_93 = tpu.vector_load %arg5[%get3A] {strides = array<i32>} : memref<6400xi32, #tpu.memory_space<vmem>>, vector<16xi32>,
      %sub3A_94 = vector.broadcast %mul3A_32 : i32 to vector<16xi32>
      %sub3A_95 = arith.subi %get3A_93, %sub3A_94 : vector<16xi32>
      %ge3A = arith.constant 0 : i32
      %ge3A_96 = vector.broadcast %ge3A : i32 to vector<16xi32>
      %ge3A_97 = arith.cmpi sge, %sub3A_95, %ge3A_96 : vector<16xi32>
      %lt3A_98 = arith.constant 25600 : i32
      %lt3A_99 = vector.broadcast %lt3A_98 : i32 to vector<16xi32>
      %lt3A_100 = arith.cmpi slt, %sub3A_95, %lt3A_99 : vector<16xi32>
      %and3A_101 = arith.andi %ge3A_97, %lt3A_100 : vector<16xi1>
      tpu.vector_store_idx %arg6[%sub3A_95], %broadcast_in_dim3A_42 masked %and3A_101 {add = true} : memref<25600xf32, #tpu.memory_space<vmem>>[vector<16xi32>], vector<16xf32>, vector<16xi1>
    }
    %scan3A_66 = arith.constant 400 : i32
    %add3A_67 = arith.constant 19200 : i32
    %add3A_68 = arith.addi %mul3A_34, %add3A_67 : i32
    %dma_start3A_69 = tpu.memref_slice %arg2[%add3A_68] : memref<204800xi32, #tpu.memory_space<hbm>> -> memref<6400xi32, #tpu.memory_space<hbm>>
    %dma_start3A_70 = tpu.memref_slice %arg2[%add3A_68] : memref<204800xi32, #tpu.memory_space<hbm>> -> memref<6400xi32, #tpu.memory_space<hbm>>
    tpu.enqueue_dma source(%dma_start3A_70 : memref<6400xi32, #tpu.memory_space<hbm>>) target(%arg5 : memref<6400xi32, #tpu.memory_space<vmem>>) target_semaphore(%arg8 : memref<!tpu.dma_semaphore, #tpu.memory_space<semaphore_mem>>)
    %dma_wait3A_71 = tpu.memref_slice %arg2[%add3A_56] : memref<204800xi32, #tpu.memory_space<hbm>> -> memref<6400xi32, #tpu.memory_space<hbm>>
    %dma_wait3A_72 = tpu.memref_slice %arg2[%add3A_56] : memref<204800xi32, #tpu.memory_space<hbm>> -> memref<6400xi32, #tpu.memory_space<hbm>>
    tpu.wait_dma2 semaphore(%arg7 : memref<!tpu.dma_semaphore, #tpu.memory_space<semaphore_mem>>) src(%dma_wait3A_72 : memref<6400xi32, #tpu.memory_space<hbm>>) dst(%arg4 : memref<6400xi32, #tpu.memory_space<vmem>>)
    %scan3A_73 = arith.constant 0 : i32
    %scan3A_74 = arith.constant 0 : i32
    %scan3A_75 = arith.constant 400 : i32
    %scan3A_76 = arith.addi %scan3A_74, %scan3A_75 : i32
    %scan3A_77 = arith.constant 1 : i32
    scf.for %scan3A_90 = %scan3A_74 to %scan3A_76 step %scan3A_77  : i32 {
      %mul3A_91 = arith.constant 16 : i32
      %mul3A_92 = arith.muli %scan3A_90, %mul3A_91 : i32
      %get3A = arith.index_cast %mul3A_92 : i32 to index
      %get3A_93 = tpu.vector_load %arg4[%get3A] {strides = array<i32>} : memref<6400xi32, #tpu.memory_space<vmem>>, vector<16xi32>,
      %sub3A_94 = vector.broadcast %mul3A_32 : i32 to vector<16xi32>
      %sub3A_95 = arith.subi %get3A_93, %sub3A_94 : vector<16xi32>
      %ge3A = arith.constant 0 : i32
      %ge3A_96 = vector.broadcast %ge3A : i32 to vector<16xi32>
      %ge3A_97 = arith.cmpi sge, %sub3A_95, %ge3A_96 : vector<16xi32>
      %lt3A_98 = arith.constant 25600 : i32
      %lt3A_99 = vector.broadcast %lt3A_98 : i32 to vector<16xi32>
      %lt3A_100 = arith.cmpi slt, %sub3A_95, %lt3A_99 : vector<16xi32>
      %and3A_101 = arith.andi %ge3A_97, %lt3A_100 : vector<16xi1>
      tpu.vector_store_idx %arg6[%sub3A_95], %broadcast_in_dim3A_42 masked %and3A_101 {add = true} : memref<25600xf32, #tpu.memory_space<vmem>>[vector<16xi32>], vector<16xf32>, vector<16xi1>
    }
    %scan3A_78 = arith.constant 400 : i32
    %dma_wait3A_79 = tpu.memref_slice %arg2[%add3A_68] : memref<204800xi32, #tpu.memory_space<hbm>> -> memref<6400xi32, #tpu.memory_space<hbm>>
    %dma_wait3A_80 = tpu.memref_slice %arg2[%add3A_68] : memref<204800xi32, #tpu.memory_space<hbm>> -> memref<6400xi32, #tpu.memory_space<hbm>>
    tpu.wait_dma2 semaphore(%arg8 : memref<!tpu.dma_semaphore, #tpu.memory_space<semaphore_mem>>) src(%dma_wait3A_80 : memref<6400xi32, #tpu.memory_space<hbm>>) dst(%arg5 : memref<6400xi32, #tpu.memory_space<vmem>>)
    %scan3A_81 = arith.constant 0 : i32
    %scan3A_82 = arith.constant 0 : i32
    %scan3A_83 = arith.constant 400 : i32
    %scan3A_84 = arith.addi %scan3A_82, %scan3A_83 : i32
    %scan3A_85 = arith.constant 1 : i32
    scf.for %scan3A_90 = %scan3A_82 to %scan3A_84 step %scan3A_85  : i32 {
      %mul3A_91 = arith.constant 16 : i32
      %mul3A_92 = arith.muli %scan3A_90, %mul3A_91 : i32
      %get3A = arith.index_cast %mul3A_92 : i32 to index
      %get3A_93 = tpu.vector_load %arg5[%get3A] {strides = array<i32>} : memref<6400xi32, #tpu.memory_space<vmem>>, vector<16xi32>,
      %sub3A_94 = vector.broadcast %mul3A_32 : i32 to vector<16xi32>
      %sub3A_95 = arith.subi %get3A_93, %sub3A_94 : vector<16xi32>
      %ge3A = arith.constant 0 : i32
      %ge3A_96 = vector.broadcast %ge3A : i32 to vector<16xi32>
      %ge3A_97 = arith.cmpi sge, %sub3A_95, %ge3A_96 : vector<16xi32>
      %lt3A_98 = arith.constant 25600 : i32
      %lt3A_99 = vector.broadcast %lt3A_98 : i32 to vector<16xi32>
      %lt3A_100 = arith.cmpi slt, %sub3A_95, %lt3A_99 : vector<16xi32>
      %and3A_101 = arith.andi %ge3A_97, %lt3A_100 : vector<16xi1>
      tpu.vector_store_idx %arg6[%sub3A_95], %broadcast_in_dim3A_42 masked %and3A_101 {add = true} : memref<25600xf32, #tpu.memory_space<vmem>>[vector<16xi32>], vector<16xf32>, vector<16xi1>
    }
    %scan3A_86 = arith.constant 400 : i32
    %mul3A_87 = arith.constant 102400 : i32
    %mul3A_88 = arith.muli %select_n3A, %mul3A_87 : i32
    %add3A_89 = arith.addi %mul3A_88, %mul3A_32 : i32
    "tpu.region"() ({
      %run_scoped3A = tpu.sem_alloc : memref<!tpu.dma_semaphore, #tpu.memory_space<semaphore_mem>>
      %dma_start3A_90 = tpu.memref_slice %arg3[%add3A_89] : memref<819200xf32, #tpu.memory_space<hbm>> -> memref<25600xf32, #tpu.memory_space<hbm>>
      %dma_start3A_91 = tpu.memref_slice %arg3[%add3A_89] : memref<819200xf32, #tpu.memory_space<hbm>> -> memref<25600xf32, #tpu.memory_space<hbm>>
      tpu.enqueue_dma source(%arg6 : memref<25600xf32, #tpu.memory_space<vmem>>) target(%dma_start3A_91 : memref<25600xf32, #tpu.memory_space<hbm>>) target_semaphore(%run_scoped3A : memref<!tpu.dma_semaphore, #tpu.memory_space<semaphore_mem>>)
      %dma_wait3A_92 = tpu.memref_slice %arg3[%add3A_89] : memref<819200xf32, #tpu.memory_space<hbm>> -> memref<25600xf32, #tpu.memory_space<hbm>>
      %dma_wait3A_93 = tpu.memref_slice %arg3[%add3A_89] : memref<819200xf32, #tpu.memory_space<hbm>> -> memref<25600xf32, #tpu.memory_space<hbm>>
      tpu.wait_dma2 semaphore(%run_scoped3A : memref<!tpu.dma_semaphore, #tpu.memory_space<semaphore_mem>>) src(%arg6 : memref<25600xf32, #tpu.memory_space<vmem>>) dst(%dma_wait3A_93 : memref<25600xf32, #tpu.memory_space<hbm>>)
      tpu.yield
    }) : () -> ()
    return
  }
}

module attributes {stable_mosaic.version = 14 : i64} {
  func.func @body(%arg0: memref<1xi32, #tpu.memory_space<smem>>, %arg1: memref<8x102400xf32, #tpu.memory_space<vmem>>, %arg2: memref<1024x100000xf32, #tpu.memory_space<any>>, %arg3: memref<32x100000xf32, #tpu.memory_space<vmem>>, %arg4: memref<4x!tpu.dma_semaphore, #tpu.memory_space<semaphore_mem>>) attributes {dimension_semantics = [], scalar_prefetch = 0 : i64, scratch_operands = 2 : i64, tpu.core_type = #tpu.core_type<tc>} {
    %get3A = arith.constant 0 : index
    %get3A_0 = arith.constant 0 : index
    %get3A_1 = vector.load %arg1[%get3A, %get3A_0] : memref<8x102400xf32, #tpu.memory_space<vmem>>, vector<8x102400xf32>
    %reduce_sum3A = arith.constant dense<0.000000e+00> : vector<102400xf32>
    %reduce_sum3A_2 = vector.multi_reduction <add>, %get3A_1, %reduce_sum3A [0] : vector<8x102400xf32> to vector<102400xf32>
    %broadcast_in_dim3A = vector.shape_cast %reduce_sum3A_2 : vector<102400xf32> to vector<1x102400xf32>
    %iota3A = tpu.iota {dimensions = array<i32: 1>} : vector<1x102400xi32>
    %get3A_3 = arith.constant 0 : index
    %get3A_4 = memref.load %arg0[%get3A_3] : memref<1xi32, #tpu.memory_space<smem>>
    %eq3A = vector.broadcast %get3A_4 : i32 to vector<1x102400xi32>
    %eq3A_5 = arith.cmpi eq, %iota3A, %eq3A : vector<1x102400xi32>
    %eq3A_6 = arith.constant 1 : i32
    %eq3A_7 = vector.broadcast %eq3A_6 : i32 to vector<1x102400xi32>
    %eq3A_8 = arith.cmpi eq, %iota3A, %eq3A_7 : vector<1x102400xi32>
    %or3A = arith.ori %eq3A_5, %eq3A_8 : vector<1x102400xi1>
    %eq3A_9 = arith.constant 2 : i32
    %eq3A_10 = vector.broadcast %eq3A_9 : i32 to vector<1x102400xi32>
    %eq3A_11 = arith.cmpi eq, %iota3A, %eq3A_10 : vector<1x102400xi32>
    %or3A_12 = arith.ori %or3A, %eq3A_11 : vector<1x102400xi1>
    %jit3A = arith.constant 0.000000e+00 : f32
    %broadcast_in_dim3A_13 = vector.broadcast %jit3A : f32 to vector<1x102400xf32>
    %select_n3A = arith.select %or3A_12, %broadcast_in_dim3A_13, %broadcast_in_dim3A : vector<1x102400xi1>, vector<1x102400xf32>
    %slice3A = vector.extract_strided_slice %select_n3A {offsets = [0, 0], sizes = [1, 100000], strides = [1, 1]} : vector<1x102400xf32> to vector<1x100000xf32>
    %broadcast_in_dim3A_14 = vector.shape_cast %slice3A : vector<1x100000xf32> to vector<1x100000xf32>
    %broadcast_in_dim3A_15 = vector.broadcast %broadcast_in_dim3A_14 : vector<1x100000xf32> to vector<32x100000xf32>
    %swap3A = arith.constant 0 : index
    %swap3A_16 = arith.constant 0 : index
    %swap3A_17 = vector.load %arg3[%swap3A, %swap3A_16] : memref<32x100000xf32, #tpu.memory_space<vmem>>, vector<32x100000xf32>
    tpu.vector_store %arg3[%swap3A, %swap3A_16], %broadcast_in_dim3A_15 {strides = array<i32>} : memref<32x100000xf32, #tpu.memory_space<vmem>>, vector<32x100000xf32>,
    %dma_start3A = arith.constant 0 : i32
    %dma_start3A_18 = tpu.memref_slice %arg4[%dma_start3A] : memref<4x!tpu.dma_semaphore, #tpu.memory_space<semaphore_mem>> -> memref<1x!tpu.dma_semaphore, #tpu.memory_space<semaphore_mem>>
    %dma_start3A_19 = tpu.memref_squeeze %dma_start3A_18 : memref<1x!tpu.dma_semaphore, #tpu.memory_space<semaphore_mem>> -> memref<!tpu.dma_semaphore, #tpu.memory_space<semaphore_mem>>
    %dma_start3A_20 = arith.constant 0 : i32
    %dma_start3A_21 = arith.constant 0 : i32
    %dma_start3A_22 = tpu.memref_slice %arg2[%dma_start3A_20, %dma_start3A_21] : memref<1024x100000xf32, #tpu.memory_space<any>> -> memref<32x100000xf32, #tpu.memory_space<any>>
    tpu.enqueue_dma source(%arg3 : memref<32x100000xf32, #tpu.memory_space<vmem>>) target(%dma_start3A_22 : memref<32x100000xf32, #tpu.memory_space<any>>) target_semaphore(%dma_start3A_19 : memref<!tpu.dma_semaphore, #tpu.memory_space<semaphore_mem>>)
    %dma_start3A_23 = arith.constant 1 : i32
    %dma_start3A_24 = tpu.memref_slice %arg4[%dma_start3A_23] : memref<4x!tpu.dma_semaphore, #tpu.memory_space<semaphore_mem>> -> memref<1x!tpu.dma_semaphore, #tpu.memory_space<semaphore_mem>>
    %dma_start3A_25 = tpu.memref_squeeze %dma_start3A_24 : memref<1x!tpu.dma_semaphore, #tpu.memory_space<semaphore_mem>> -> memref<!tpu.dma_semaphore, #tpu.memory_space<semaphore_mem>>
    %dma_start3A_26 = arith.constant 32 : i32
    %dma_start3A_27 = arith.constant 0 : i32
    %dma_start3A_28 = tpu.memref_slice %arg2[%dma_start3A_26, %dma_start3A_27] : memref<1024x100000xf32, #tpu.memory_space<any>> -> memref<32x100000xf32, #tpu.memory_space<any>>
    tpu.enqueue_dma source(%arg3 : memref<32x100000xf32, #tpu.memory_space<vmem>>) target(%dma_start3A_28 : memref<32x100000xf32, #tpu.memory_space<any>>) target_semaphore(%dma_start3A_25 : memref<!tpu.dma_semaphore, #tpu.memory_space<semaphore_mem>>)
    %dma_start3A_29 = arith.constant 2 : i32
    %dma_start3A_30 = tpu.memref_slice %arg4[%dma_start3A_29] : memref<4x!tpu.dma_semaphore, #tpu.memory_space<semaphore_mem>> -> memref<1x!tpu.dma_semaphore, #tpu.memory_space<semaphore_mem>>
    %dma_start3A_31 = tpu.memref_squeeze %dma_start3A_30 : memref<1x!tpu.dma_semaphore, #tpu.memory_space<semaphore_mem>> -> memref<!tpu.dma_semaphore, #tpu.memory_space<semaphore_mem>>
    %dma_start3A_32 = arith.constant 64 : i32
    %dma_start3A_33 = arith.constant 0 : i32
    %dma_start3A_34 = tpu.memref_slice %arg2[%dma_start3A_32, %dma_start3A_33] : memref<1024x100000xf32, #tpu.memory_space<any>> -> memref<32x100000xf32, #tpu.memory_space<any>>
    tpu.enqueue_dma source(%arg3 : memref<32x100000xf32, #tpu.memory_space<vmem>>) target(%dma_start3A_34 : memref<32x100000xf32, #tpu.memory_space<any>>) target_semaphore(%dma_start3A_31 : memref<!tpu.dma_semaphore, #tpu.memory_space<semaphore_mem>>)
    %dma_start3A_35 = arith.constant 3 : i32
    %dma_start3A_36 = tpu.memref_slice %arg4[%dma_start3A_35] : memref<4x!tpu.dma_semaphore, #tpu.memory_space<semaphore_mem>> -> memref<1x!tpu.dma_semaphore, #tpu.memory_space<semaphore_mem>>
    %dma_start3A_37 = tpu.memref_squeeze %dma_start3A_36 : memref<1x!tpu.dma_semaphore, #tpu.memory_space<semaphore_mem>> -> memref<!tpu.dma_semaphore, #tpu.memory_space<semaphore_mem>>
    %dma_start3A_38 = arith.constant 96 : i32
    %dma_start3A_39 = arith.constant 0 : i32
    %dma_start3A_40 = tpu.memref_slice %arg2[%dma_start3A_38, %dma_start3A_39] : memref<1024x100000xf32, #tpu.memory_space<any>> -> memref<32x100000xf32, #tpu.memory_space<any>>
    tpu.enqueue_dma source(%arg3 : memref<32x100000xf32, #tpu.memory_space<vmem>>) target(%dma_start3A_40 : memref<32x100000xf32, #tpu.memory_space<any>>) target_semaphore(%dma_start3A_37 : memref<!tpu.dma_semaphore, #tpu.memory_space<semaphore_mem>>)
    %dma_wait3A = arith.constant 0 : i32
    %dma_wait3A_41 = tpu.memref_slice %arg4[%dma_wait3A] : memref<4x!tpu.dma_semaphore, #tpu.memory_space<semaphore_mem>> -> memref<1x!tpu.dma_semaphore, #tpu.memory_space<semaphore_mem>>
    %dma_wait3A_42 = tpu.memref_squeeze %dma_wait3A_41 : memref<1x!tpu.dma_semaphore, #tpu.memory_space<semaphore_mem>> -> memref<!tpu.dma_semaphore, #tpu.memory_space<semaphore_mem>>
    %dma_wait3A_43 = arith.constant 0 : i32
    %dma_wait3A_44 = arith.constant 0 : i32
    %dma_wait3A_45 = tpu.memref_slice %arg2[%dma_wait3A_43, %dma_wait3A_44] : memref<1024x100000xf32, #tpu.memory_space<any>> -> memref<32x100000xf32, #tpu.memory_space<any>>
    tpu.wait_dma2 semaphore(%dma_wait3A_42 : memref<!tpu.dma_semaphore, #tpu.memory_space<semaphore_mem>>) src(%arg3 : memref<32x100000xf32, #tpu.memory_space<vmem>>) dst(%dma_wait3A_45 : memref<32x100000xf32, #tpu.memory_space<any>>)
    %dma_start3A_46 = arith.constant 0 : i32
    %dma_start3A_47 = tpu.memref_slice %arg4[%dma_start3A_46] : memref<4x!tpu.dma_semaphore, #tpu.memory_space<semaphore_mem>> -> memref<1x!tpu.dma_semaphore, #tpu.memory_space<semaphore_mem>>
    %dma_start3A_48 = tpu.memref_squeeze %dma_start3A_47 : memref<1x!tpu.dma_semaphore, #tpu.memory_space<semaphore_mem>> -> memref<!tpu.dma_semaphore, #tpu.memory_space<semaphore_mem>>
    %dma_start3A_49 = arith.constant 128 : i32
    %dma_start3A_50 = arith.constant 0 : i32
    %dma_start3A_51 = tpu.memref_slice %arg2[%dma_start3A_49, %dma_start3A_50] : memref<1024x100000xf32, #tpu.memory_space<any>> -> memref<32x100000xf32, #tpu.memory_space<any>>
    tpu.enqueue_dma source(%arg3 : memref<32x100000xf32, #tpu.memory_space<vmem>>) target(%dma_start3A_51 : memref<32x100000xf32, #tpu.memory_space<any>>) target_semaphore(%dma_start3A_48 : memref<!tpu.dma_semaphore, #tpu.memory_space<semaphore_mem>>)
    %dma_wait3A_52 = arith.constant 1 : i32
    %dma_wait3A_53 = tpu.memref_slice %arg4[%dma_wait3A_52] : memref<4x!tpu.dma_semaphore, #tpu.memory_space<semaphore_mem>> -> memref<1x!tpu.dma_semaphore, #tpu.memory_space<semaphore_mem>>
    %dma_wait3A_54 = tpu.memref_squeeze %dma_wait3A_53 : memref<1x!tpu.dma_semaphore, #tpu.memory_space<semaphore_mem>> -> memref<!tpu.dma_semaphore, #tpu.memory_space<semaphore_mem>>
    %dma_wait3A_55 = arith.constant 32 : i32
    %dma_wait3A_56 = arith.constant 0 : i32
    %dma_wait3A_57 = tpu.memref_slice %arg2[%dma_wait3A_55, %dma_wait3A_56] : memref<1024x100000xf32, #tpu.memory_space<any>> -> memref<32x100000xf32, #tpu.memory_space<any>>
    tpu.wait_dma2 semaphore(%dma_wait3A_54 : memref<!tpu.dma_semaphore, #tpu.memory_space<semaphore_mem>>) src(%arg3 : memref<32x100000xf32, #tpu.memory_space<vmem>>) dst(%dma_wait3A_57 : memref<32x100000xf32, #tpu.memory_space<any>>)
    %dma_start3A_58 = arith.constant 1 : i32
    %dma_start3A_59 = tpu.memref_slice %arg4[%dma_start3A_58] : memref<4x!tpu.dma_semaphore, #tpu.memory_space<semaphore_mem>> -> memref<1x!tpu.dma_semaphore, #tpu.memory_space<semaphore_mem>>
    %dma_start3A_60 = tpu.memref_squeeze %dma_start3A_59 : memref<1x!tpu.dma_semaphore, #tpu.memory_space<semaphore_mem>> -> memref<!tpu.dma_semaphore, #tpu.memory_space<semaphore_mem>>
    %dma_start3A_61 = arith.constant 160 : i32
    %dma_start3A_62 = arith.constant 0 : i32
    %dma_start3A_63 = tpu.memref_slice %arg2[%dma_start3A_61, %dma_start3A_62] : memref<1024x100000xf32, #tpu.memory_space<any>> -> memref<32x100000xf32, #tpu.memory_space<any>>
    tpu.enqueue_dma source(%arg3 : memref<32x100000xf32, #tpu.memory_space<vmem>>) target(%dma_start3A_63 : memref<32x100000xf32, #tpu.memory_space<any>>) target_semaphore(%dma_start3A_60 : memref<!tpu.dma_semaphore, #tpu.memory_space<semaphore_mem>>)
    %dma_wait3A_64 = arith.constant 2 : i32
    %dma_wait3A_65 = tpu.memref_slice %arg4[%dma_wait3A_64] : memref<4x!tpu.dma_semaphore, #tpu.memory_space<semaphore_mem>> -> memref<1x!tpu.dma_semaphore, #tpu.memory_space<semaphore_mem>>
    %dma_wait3A_66 = tpu.memref_squeeze %dma_wait3A_65 : memref<1x!tpu.dma_semaphore, #tpu.memory_space<semaphore_mem>> -> memref<!tpu.dma_semaphore, #tpu.memory_space<semaphore_mem>>
    %dma_wait3A_67 = arith.constant 64 : i32
    %dma_wait3A_68 = arith.constant 0 : i32
    %dma_wait3A_69 = tpu.memref_slice %arg2[%dma_wait3A_67, %dma_wait3A_68] : memref<1024x100000xf32, #tpu.memory_space<any>> -> memref<32x100000xf32, #tpu.memory_space<any>>
    tpu.wait_dma2 semaphore(%dma_wait3A_66 : memref<!tpu.dma_semaphore, #tpu.memory_space<semaphore_mem>>) src(%arg3 : memref<32x100000xf32, #tpu.memory_space<vmem>>) dst(%dma_wait3A_69 : memref<32x100000xf32, #tpu.memory_space<any>>)
    %dma_start3A_70 = arith.constant 2 : i32
    %dma_start3A_71 = tpu.memref_slice %arg4[%dma_start3A_70] : memref<4x!tpu.dma_semaphore, #tpu.memory_space<semaphore_mem>> -> memref<1x!tpu.dma_semaphore, #tpu.memory_space<semaphore_mem>>
    %dma_start3A_72 = tpu.memref_squeeze %dma_start3A_71 : memref<1x!tpu.dma_semaphore, #tpu.memory_space<semaphore_mem>> -> memref<!tpu.dma_semaphore, #tpu.memory_space<semaphore_mem>>
    %dma_start3A_73 = arith.constant 192 : i32
    %dma_start3A_74 = arith.constant 0 : i32
    %dma_start3A_75 = tpu.memref_slice %arg2[%dma_start3A_73, %dma_start3A_74] : memref<1024x100000xf32, #tpu.memory_space<any>> -> memref<32x100000xf32, #tpu.memory_space<any>>
    tpu.enqueue_dma source(%arg3 : memref<32x100000xf32, #tpu.memory_space<vmem>>) target(%dma_start3A_75 : memref<32x100000xf32, #tpu.memory_space<any>>) target_semaphore(%dma_start3A_72 : memref<!tpu.dma_semaphore, #tpu.memory_space<semaphore_mem>>)
    %dma_wait3A_76 = arith.constant 3 : i32
    %dma_wait3A_77 = tpu.memref_slice %arg4[%dma_wait3A_76] : memref<4x!tpu.dma_semaphore, #tpu.memory_space<semaphore_mem>> -> memref<1x!tpu.dma_semaphore, #tpu.memory_space<semaphore_mem>>
    %dma_wait3A_78 = tpu.memref_squeeze %dma_wait3A_77 : memref<1x!tpu.dma_semaphore, #tpu.memory_space<semaphore_mem>> -> memref<!tpu.dma_semaphore, #tpu.memory_space<semaphore_mem>>
    %dma_wait3A_79 = arith.constant 96 : i32
    %dma_wait3A_80 = arith.constant 0 : i32
    %dma_wait3A_81 = tpu.memref_slice %arg2[%dma_wait3A_79, %dma_wait3A_80] : memref<1024x100000xf32, #tpu.memory_space<any>> -> memref<32x100000xf32, #tpu.memory_space<any>>
    tpu.wait_dma2 semaphore(%dma_wait3A_78 : memref<!tpu.dma_semaphore, #tpu.memory_space<semaphore_mem>>) src(%arg3 : memref<32x100000xf32, #tpu.memory_space<vmem>>) dst(%dma_wait3A_81 : memref<32x100000xf32, #tpu.memory_space<any>>)
    %dma_start3A_82 = arith.constant 3 : i32
    %dma_start3A_83 = tpu.memref_slice %arg4[%dma_start3A_82] : memref<4x!tpu.dma_semaphore, #tpu.memory_space<semaphore_mem>> -> memref<1x!tpu.dma_semaphore, #tpu.memory_space<semaphore_mem>>
    %dma_start3A_84 = tpu.memref_squeeze %dma_start3A_83 : memref<1x!tpu.dma_semaphore, #tpu.memory_space<semaphore_mem>> -> memref<!tpu.dma_semaphore, #tpu.memory_space<semaphore_mem>>
    %dma_start3A_85 = arith.constant 224 : i32
    %dma_start3A_86 = arith.constant 0 : i32
    %dma_start3A_87 = tpu.memref_slice %arg2[%dma_start3A_85, %dma_start3A_86] : memref<1024x100000xf32, #tpu.memory_space<any>> -> memref<32x100000xf32, #tpu.memory_space<any>>
    tpu.enqueue_dma source(%arg3 : memref<32x100000xf32, #tpu.memory_space<vmem>>) target(%dma_start3A_87 : memref<32x100000xf32, #tpu.memory_space<any>>) target_semaphore(%dma_start3A_84 : memref<!tpu.dma_semaphore, #tpu.memory_space<semaphore_mem>>)
    %dma_wait3A_88 = arith.constant 0 : i32
    %dma_wait3A_89 = tpu.memref_slice %arg4[%dma_wait3A_88] : memref<4x!tpu.dma_semaphore, #tpu.memory_space<semaphore_mem>> -> memref<1x!tpu.dma_semaphore, #tpu.memory_space<semaphore_mem>>
    %dma_wait3A_90 = tpu.memref_squeeze %dma_wait3A_89 : memref<1x!tpu.dma_semaphore, #tpu.memory_space<semaphore_mem>> -> memref<!tpu.dma_semaphore, #tpu.memory_space<semaphore_mem>>
    %dma_wait3A_91 = arith.constant 128 : i32
    %dma_wait3A_92 = arith.constant 0 : i32
    %dma_wait3A_93 = tpu.memref_slice %arg2[%dma_wait3A_91, %dma_wait3A_92] : memref<1024x100000xf32, #tpu.memory_space<any>> -> memref<32x100000xf32, #tpu.memory_space<any>>
    tpu.wait_dma2 semaphore(%dma_wait3A_90 : memref<!tpu.dma_semaphore, #tpu.memory_space<semaphore_mem>>) src(%arg3 : memref<32x100000xf32, #tpu.memory_space<vmem>>) dst(%dma_wait3A_93 : memref<32x100000xf32, #tpu.memory_space<any>>)
    %dma_start3A_94 = arith.constant 0 : i32
    %dma_start3A_95 = tpu.memref_slice %arg4[%dma_start3A_94] : memref<4x!tpu.dma_semaphore, #tpu.memory_space<semaphore_mem>> -> memref<1x!tpu.dma_semaphore, #tpu.memory_space<semaphore_mem>>
    %dma_start3A_96 = tpu.memref_squeeze %dma_start3A_95 : memref<1x!tpu.dma_semaphore, #tpu.memory_space<semaphore_mem>> -> memref<!tpu.dma_semaphore, #tpu.memory_space<semaphore_mem>>
    %dma_start3A_97 = arith.constant 256 : i32
    %dma_start3A_98 = arith.constant 0 : i32
    %dma_start3A_99 = tpu.memref_slice %arg2[%dma_start3A_97, %dma_start3A_98] : memref<1024x100000xf32, #tpu.memory_space<any>> -> memref<32x100000xf32, #tpu.memory_space<any>>
    tpu.enqueue_dma source(%arg3 : memref<32x100000xf32, #tpu.memory_space<vmem>>) target(%dma_start3A_99 : memref<32x100000xf32, #tpu.memory_space<any>>) target_semaphore(%dma_start3A_96 : memref<!tpu.dma_semaphore, #tpu.memory_space<semaphore_mem>>)
    %dma_wait3A_100 = arith.constant 1 : i32
    %dma_wait3A_101 = tpu.memref_slice %arg4[%dma_wait3A_100] : memref<4x!tpu.dma_semaphore, #tpu.memory_space<semaphore_mem>> -> memref<1x!tpu.dma_semaphore, #tpu.memory_space<semaphore_mem>>
    %dma_wait3A_102 = tpu.memref_squeeze %dma_wait3A_101 : memref<1x!tpu.dma_semaphore, #tpu.memory_space<semaphore_mem>> -> memref<!tpu.dma_semaphore, #tpu.memory_space<semaphore_mem>>
    %dma_wait3A_103 = arith.constant 160 : i32
    %dma_wait3A_104 = arith.constant 0 : i32
    %dma_wait3A_105 = tpu.memref_slice %arg2[%dma_wait3A_103, %dma_wait3A_104] : memref<1024x100000xf32, #tpu.memory_space<any>> -> memref<32x100000xf32, #tpu.memory_space<any>>
    tpu.wait_dma2 semaphore(%dma_wait3A_102 : memref<!tpu.dma_semaphore, #tpu.memory_space<semaphore_mem>>) src(%arg3 : memref<32x100000xf32, #tpu.memory_space<vmem>>) dst(%dma_wait3A_105 : memref<32x100000xf32, #tpu.memory_space<any>>)
    %dma_start3A_106 = arith.constant 1 : i32
    %dma_start3A_107 = tpu.memref_slice %arg4[%dma_start3A_106] : memref<4x!tpu.dma_semaphore, #tpu.memory_space<semaphore_mem>> -> memref<1x!tpu.dma_semaphore, #tpu.memory_space<semaphore_mem>>
    %dma_start3A_108 = tpu.memref_squeeze %dma_start3A_107 : memref<1x!tpu.dma_semaphore, #tpu.memory_space<semaphore_mem>> -> memref<!tpu.dma_semaphore, #tpu.memory_space<semaphore_mem>>
    %dma_start3A_109 = arith.constant 288 : i32
    %dma_start3A_110 = arith.constant 0 : i32
    %dma_start3A_111 = tpu.memref_slice %arg2[%dma_start3A_109, %dma_start3A_110] : memref<1024x100000xf32, #tpu.memory_space<any>> -> memref<32x100000xf32, #tpu.memory_space<any>>
    tpu.enqueue_dma source(%arg3 : memref<32x100000xf32, #tpu.memory_space<vmem>>) target(%dma_start3A_111 : memref<32x100000xf32, #tpu.memory_space<any>>) target_semaphore(%dma_start3A_108 : memref<!tpu.dma_semaphore, #tpu.memory_space<semaphore_mem>>)
    %dma_wait3A_112 = arith.constant 2 : i32
    %dma_wait3A_113 = tpu.memref_slice %arg4[%dma_wait3A_112] : memref<4x!tpu.dma_semaphore, #tpu.memory_space<semaphore_mem>> -> memref<1x!tpu.dma_semaphore, #tpu.memory_space<semaphore_mem>>
    %dma_wait3A_114 = tpu.memref_squeeze %dma_wait3A_113 : memref<1x!tpu.dma_semaphore, #tpu.memory_space<semaphore_mem>> -> memref<!tpu.dma_semaphore, #tpu.memory_space<semaphore_mem>>
    %dma_wait3A_115 = arith.constant 192 : i32
    %dma_wait3A_116 = arith.constant 0 : i32
    %dma_wait3A_117 = tpu.memref_slice %arg2[%dma_wait3A_115, %dma_wait3A_116] : memref<1024x100000xf32, #tpu.memory_space<any>> -> memref<32x100000xf32, #tpu.memory_space<any>>
    tpu.wait_dma2 semaphore(%dma_wait3A_114 : memref<!tpu.dma_semaphore, #tpu.memory_space<semaphore_mem>>) src(%arg3 : memref<32x100000xf32, #tpu.memory_space<vmem>>) dst(%dma_wait3A_117 : memref<32x100000xf32, #tpu.memory_space<any>>)
    %dma_start3A_118 = arith.constant 2 : i32
    %dma_start3A_119 = tpu.memref_slice %arg4[%dma_start3A_118] : memref<4x!tpu.dma_semaphore, #tpu.memory_space<semaphore_mem>> -> memref<1x!tpu.dma_semaphore, #tpu.memory_space<semaphore_mem>>
    %dma_start3A_120 = tpu.memref_squeeze %dma_start3A_119 : memref<1x!tpu.dma_semaphore, #tpu.memory_space<semaphore_mem>> -> memref<!tpu.dma_semaphore, #tpu.memory_space<semaphore_mem>>
    %dma_start3A_121 = arith.constant 320 : i32
    %dma_start3A_122 = arith.constant 0 : i32
    %dma_start3A_123 = tpu.memref_slice %arg2[%dma_start3A_121, %dma_start3A_122] : memref<1024x100000xf32, #tpu.memory_space<any>> -> memref<32x100000xf32, #tpu.memory_space<any>>
    tpu.enqueue_dma source(%arg3 : memref<32x100000xf32, #tpu.memory_space<vmem>>) target(%dma_start3A_123 : memref<32x100000xf32, #tpu.memory_space<any>>) target_semaphore(%dma_start3A_120 : memref<!tpu.dma_semaphore, #tpu.memory_space<semaphore_mem>>)
    %dma_wait3A_124 = arith.constant 3 : i32
    %dma_wait3A_125 = tpu.memref_slice %arg4[%dma_wait3A_124] : memref<4x!tpu.dma_semaphore, #tpu.memory_space<semaphore_mem>> -> memref<1x!tpu.dma_semaphore, #tpu.memory_space<semaphore_mem>>
    %dma_wait3A_126 = tpu.memref_squeeze %dma_wait3A_125 : memref<1x!tpu.dma_semaphore, #tpu.memory_space<semaphore_mem>> -> memref<!tpu.dma_semaphore, #tpu.memory_space<semaphore_mem>>
    %dma_wait3A_127 = arith.constant 224 : i32
    %dma_wait3A_128 = arith.constant 0 : i32
    %dma_wait3A_129 = tpu.memref_slice %arg2[%dma_wait3A_127, %dma_wait3A_128] : memref<1024x100000xf32, #tpu.memory_space<any>> -> memref<32x100000xf32, #tpu.memory_space<any>>
    tpu.wait_dma2 semaphore(%dma_wait3A_126 : memref<!tpu.dma_semaphore, #tpu.memory_space<semaphore_mem>>) src(%arg3 : memref<32x100000xf32, #tpu.memory_space<vmem>>) dst(%dma_wait3A_129 : memref<32x100000xf32, #tpu.memory_space<any>>)
    %dma_start3A_130 = arith.constant 3 : i32
    %dma_start3A_131 = tpu.memref_slice %arg4[%dma_start3A_130] : memref<4x!tpu.dma_semaphore, #tpu.memory_space<semaphore_mem>> -> memref<1x!tpu.dma_semaphore, #tpu.memory_space<semaphore_mem>>
    %dma_start3A_132 = tpu.memref_squeeze %dma_start3A_131 : memref<1x!tpu.dma_semaphore, #tpu.memory_space<semaphore_mem>> -> memref<!tpu.dma_semaphore, #tpu.memory_space<semaphore_mem>>
    %dma_start3A_133 = arith.constant 352 : i32
    %dma_start3A_134 = arith.constant 0 : i32
    %dma_start3A_135 = tpu.memref_slice %arg2[%dma_start3A_133, %dma_start3A_134] : memref<1024x100000xf32, #tpu.memory_space<any>> -> memref<32x100000xf32, #tpu.memory_space<any>>
    tpu.enqueue_dma source(%arg3 : memref<32x100000xf32, #tpu.memory_space<vmem>>) target(%dma_start3A_135 : memref<32x100000xf32, #tpu.memory_space<any>>) target_semaphore(%dma_start3A_132 : memref<!tpu.dma_semaphore, #tpu.memory_space<semaphore_mem>>)
    %dma_wait3A_136 = arith.constant 0 : i32
    %dma_wait3A_137 = tpu.memref_slice %arg4[%dma_wait3A_136] : memref<4x!tpu.dma_semaphore, #tpu.memory_space<semaphore_mem>> -> memref<1x!tpu.dma_semaphore, #tpu.memory_space<semaphore_mem>>
    %dma_wait3A_138 = tpu.memref_squeeze %dma_wait3A_137 : memref<1x!tpu.dma_semaphore, #tpu.memory_space<semaphore_mem>> -> memref<!tpu.dma_semaphore, #tpu.memory_space<semaphore_mem>>
    %dma_wait3A_139 = arith.constant 256 : i32
    %dma_wait3A_140 = arith.constant 0 : i32
    %dma_wait3A_141 = tpu.memref_slice %arg2[%dma_wait3A_139, %dma_wait3A_140] : memref<1024x100000xf32, #tpu.memory_space<any>> -> memref<32x100000xf32, #tpu.memory_space<any>>
    tpu.wait_dma2 semaphore(%dma_wait3A_138 : memref<!tpu.dma_semaphore, #tpu.memory_space<semaphore_mem>>) src(%arg3 : memref<32x100000xf32, #tpu.memory_space<vmem>>) dst(%dma_wait3A_141 : memref<32x100000xf32, #tpu.memory_space<any>>)
    %dma_start3A_142 = arith.constant 0 : i32
    %dma_start3A_143 = tpu.memref_slice %arg4[%dma_start3A_142] : memref<4x!tpu.dma_semaphore, #tpu.memory_space<semaphore_mem>> -> memref<1x!tpu.dma_semaphore, #tpu.memory_space<semaphore_mem>>
    %dma_start3A_144 = tpu.memref_squeeze %dma_start3A_143 : memref<1x!tpu.dma_semaphore, #tpu.memory_space<semaphore_mem>> -> memref<!tpu.dma_semaphore, #tpu.memory_space<semaphore_mem>>
    %dma_start3A_145 = arith.constant 384 : i32
    %dma_start3A_146 = arith.constant 0 : i32
    %dma_start3A_147 = tpu.memref_slice %arg2[%dma_start3A_145, %dma_start3A_146] : memref<1024x100000xf32, #tpu.memory_space<any>> -> memref<32x100000xf32, #tpu.memory_space<any>>
    tpu.enqueue_dma source(%arg3 : memref<32x100000xf32, #tpu.memory_space<vmem>>) target(%dma_start3A_147 : memref<32x100000xf32, #tpu.memory_space<any>>) target_semaphore(%dma_start3A_144 : memref<!tpu.dma_semaphore, #tpu.memory_space<semaphore_mem>>)
    %dma_wait3A_148 = arith.constant 1 : i32
    %dma_wait3A_149 = tpu.memref_slice %arg4[%dma_wait3A_148] : memref<4x!tpu.dma_semaphore, #tpu.memory_space<semaphore_mem>> -> memref<1x!tpu.dma_semaphore, #tpu.memory_space<semaphore_mem>>
    %dma_wait3A_150 = tpu.memref_squeeze %dma_wait3A_149 : memref<1x!tpu.dma_semaphore, #tpu.memory_space<semaphore_mem>> -> memref<!tpu.dma_semaphore, #tpu.memory_space<semaphore_mem>>
    %dma_wait3A_151 = arith.constant 288 : i32
    %dma_wait3A_152 = arith.constant 0 : i32
    %dma_wait3A_153 = tpu.memref_slice %arg2[%dma_wait3A_151, %dma_wait3A_152] : memref<1024x100000xf32, #tpu.memory_space<any>> -> memref<32x100000xf32, #tpu.memory_space<any>>
    tpu.wait_dma2 semaphore(%dma_wait3A_150 : memref<!tpu.dma_semaphore, #tpu.memory_space<semaphore_mem>>) src(%arg3 : memref<32x100000xf32, #tpu.memory_space<vmem>>) dst(%dma_wait3A_153 : memref<32x100000xf32, #tpu.memory_space<any>>)
    %dma_start3A_154 = arith.constant 1 : i32
    %dma_start3A_155 = tpu.memref_slice %arg4[%dma_start3A_154] : memref<4x!tpu.dma_semaphore, #tpu.memory_space<semaphore_mem>> -> memref<1x!tpu.dma_semaphore, #tpu.memory_space<semaphore_mem>>
    %dma_start3A_156 = tpu.memref_squeeze %dma_start3A_155 : memref<1x!tpu.dma_semaphore, #tpu.memory_space<semaphore_mem>> -> memref<!tpu.dma_semaphore, #tpu.memory_space<semaphore_mem>>
    %dma_start3A_157 = arith.constant 416 : i32
    %dma_start3A_158 = arith.constant 0 : i32
    %dma_start3A_159 = tpu.memref_slice %arg2[%dma_start3A_157, %dma_start3A_158] : memref<1024x100000xf32, #tpu.memory_space<any>> -> memref<32x100000xf32, #tpu.memory_space<any>>
    tpu.enqueue_dma source(%arg3 : memref<32x100000xf32, #tpu.memory_space<vmem>>) target(%dma_start3A_159 : memref<32x100000xf32, #tpu.memory_space<any>>) target_semaphore(%dma_start3A_156 : memref<!tpu.dma_semaphore, #tpu.memory_space<semaphore_mem>>)
    %dma_wait3A_160 = arith.constant 2 : i32
    %dma_wait3A_161 = tpu.memref_slice %arg4[%dma_wait3A_160] : memref<4x!tpu.dma_semaphore, #tpu.memory_space<semaphore_mem>> -> memref<1x!tpu.dma_semaphore, #tpu.memory_space<semaphore_mem>>
    %dma_wait3A_162 = tpu.memref_squeeze %dma_wait3A_161 : memref<1x!tpu.dma_semaphore, #tpu.memory_space<semaphore_mem>> -> memref<!tpu.dma_semaphore, #tpu.memory_space<semaphore_mem>>
    %dma_wait3A_163 = arith.constant 320 : i32
    %dma_wait3A_164 = arith.constant 0 : i32
    %dma_wait3A_165 = tpu.memref_slice %arg2[%dma_wait3A_163, %dma_wait3A_164] : memref<1024x100000xf32, #tpu.memory_space<any>> -> memref<32x100000xf32, #tpu.memory_space<any>>
    tpu.wait_dma2 semaphore(%dma_wait3A_162 : memref<!tpu.dma_semaphore, #tpu.memory_space<semaphore_mem>>) src(%arg3 : memref<32x100000xf32, #tpu.memory_space<vmem>>) dst(%dma_wait3A_165 : memref<32x100000xf32, #tpu.memory_space<any>>)
    %dma_start3A_166 = arith.constant 2 : i32
    %dma_start3A_167 = tpu.memref_slice %arg4[%dma_start3A_166] : memref<4x!tpu.dma_semaphore, #tpu.memory_space<semaphore_mem>> -> memref<1x!tpu.dma_semaphore, #tpu.memory_space<semaphore_mem>>
    %dma_start3A_168 = tpu.memref_squeeze %dma_start3A_167 : memref<1x!tpu.dma_semaphore, #tpu.memory_space<semaphore_mem>> -> memref<!tpu.dma_semaphore, #tpu.memory_space<semaphore_mem>>
    %dma_start3A_169 = arith.constant 448 : i32
    %dma_start3A_170 = arith.constant 0 : i32
    %dma_start3A_171 = tpu.memref_slice %arg2[%dma_start3A_169, %dma_start3A_170] : memref<1024x100000xf32, #tpu.memory_space<any>> -> memref<32x100000xf32, #tpu.memory_space<any>>
    tpu.enqueue_dma source(%arg3 : memref<32x100000xf32, #tpu.memory_space<vmem>>) target(%dma_start3A_171 : memref<32x100000xf32, #tpu.memory_space<any>>) target_semaphore(%dma_start3A_168 : memref<!tpu.dma_semaphore, #tpu.memory_space<semaphore_mem>>)
    %dma_wait3A_172 = arith.constant 3 : i32
    %dma_wait3A_173 = tpu.memref_slice %arg4[%dma_wait3A_172] : memref<4x!tpu.dma_semaphore, #tpu.memory_space<semaphore_mem>> -> memref<1x!tpu.dma_semaphore, #tpu.memory_space<semaphore_mem>>
    %dma_wait3A_174 = tpu.memref_squeeze %dma_wait3A_173 : memref<1x!tpu.dma_semaphore, #tpu.memory_space<semaphore_mem>> -> memref<!tpu.dma_semaphore, #tpu.memory_space<semaphore_mem>>
    %dma_wait3A_175 = arith.constant 352 : i32
    %dma_wait3A_176 = arith.constant 0 : i32
    %dma_wait3A_177 = tpu.memref_slice %arg2[%dma_wait3A_175, %dma_wait3A_176] : memref<1024x100000xf32, #tpu.memory_space<any>> -> memref<32x100000xf32, #tpu.memory_space<any>>
    tpu.wait_dma2 semaphore(%dma_wait3A_174 : memref<!tpu.dma_semaphore, #tpu.memory_space<semaphore_mem>>) src(%arg3 : memref<32x100000xf32, #tpu.memory_space<vmem>>) dst(%dma_wait3A_177 : memref<32x100000xf32, #tpu.memory_space<any>>)
    %dma_start3A_178 = arith.constant 3 : i32
    %dma_start3A_179 = tpu.memref_slice %arg4[%dma_start3A_178] : memref<4x!tpu.dma_semaphore, #tpu.memory_space<semaphore_mem>> -> memref<1x!tpu.dma_semaphore, #tpu.memory_space<semaphore_mem>>
    %dma_start3A_180 = tpu.memref_squeeze %dma_start3A_179 : memref<1x!tpu.dma_semaphore, #tpu.memory_space<semaphore_mem>> -> memref<!tpu.dma_semaphore, #tpu.memory_space<semaphore_mem>>
    %dma_start3A_181 = arith.constant 480 : i32
    %dma_start3A_182 = arith.constant 0 : i32
    %dma_start3A_183 = tpu.memref_slice %arg2[%dma_start3A_181, %dma_start3A_182] : memref<1024x100000xf32, #tpu.memory_space<any>> -> memref<32x100000xf32, #tpu.memory_space<any>>
    tpu.enqueue_dma source(%arg3 : memref<32x100000xf32, #tpu.memory_space<vmem>>) target(%dma_start3A_183 : memref<32x100000xf32, #tpu.memory_space<any>>) target_semaphore(%dma_start3A_180 : memref<!tpu.dma_semaphore, #tpu.memory_space<semaphore_mem>>)
    %dma_wait3A_184 = arith.constant 0 : i32
    %dma_wait3A_185 = tpu.memref_slice %arg4[%dma_wait3A_184] : memref<4x!tpu.dma_semaphore, #tpu.memory_space<semaphore_mem>> -> memref<1x!tpu.dma_semaphore, #tpu.memory_space<semaphore_mem>>
    %dma_wait3A_186 = tpu.memref_squeeze %dma_wait3A_185 : memref<1x!tpu.dma_semaphore, #tpu.memory_space<semaphore_mem>> -> memref<!tpu.dma_semaphore, #tpu.memory_space<semaphore_mem>>
    %dma_wait3A_187 = arith.constant 384 : i32
    %dma_wait3A_188 = arith.constant 0 : i32
    %dma_wait3A_189 = tpu.memref_slice %arg2[%dma_wait3A_187, %dma_wait3A_188] : memref<1024x100000xf32, #tpu.memory_space<any>> -> memref<32x100000xf32, #tpu.memory_space<any>>
    tpu.wait_dma2 semaphore(%dma_wait3A_186 : memref<!tpu.dma_semaphore, #tpu.memory_space<semaphore_mem>>) src(%arg3 : memref<32x100000xf32, #tpu.memory_space<vmem>>) dst(%dma_wait3A_189 : memref<32x100000xf32, #tpu.memory_space<any>>)
    %dma_start3A_190 = arith.constant 0 : i32
    %dma_start3A_191 = tpu.memref_slice %arg4[%dma_start3A_190] : memref<4x!tpu.dma_semaphore, #tpu.memory_space<semaphore_mem>> -> memref<1x!tpu.dma_semaphore, #tpu.memory_space<semaphore_mem>>
    %dma_start3A_192 = tpu.memref_squeeze %dma_start3A_191 : memref<1x!tpu.dma_semaphore, #tpu.memory_space<semaphore_mem>> -> memref<!tpu.dma_semaphore, #tpu.memory_space<semaphore_mem>>
    %dma_start3A_193 = arith.constant 512 : i32
    %dma_start3A_194 = arith.constant 0 : i32
    %dma_start3A_195 = tpu.memref_slice %arg2[%dma_start3A_193, %dma_start3A_194] : memref<1024x100000xf32, #tpu.memory_space<any>> -> memref<32x100000xf32, #tpu.memory_space<any>>
    tpu.enqueue_dma source(%arg3 : memref<32x100000xf32, #tpu.memory_space<vmem>>) target(%dma_start3A_195 : memref<32x100000xf32, #tpu.memory_space<any>>) target_semaphore(%dma_start3A_192 : memref<!tpu.dma_semaphore, #tpu.memory_space<semaphore_mem>>)
    %dma_wait3A_196 = arith.constant 1 : i32
    %dma_wait3A_197 = tpu.memref_slice %arg4[%dma_wait3A_196] : memref<4x!tpu.dma_semaphore, #tpu.memory_space<semaphore_mem>> -> memref<1x!tpu.dma_semaphore, #tpu.memory_space<semaphore_mem>>
    %dma_wait3A_198 = tpu.memref_squeeze %dma_wait3A_197 : memref<1x!tpu.dma_semaphore, #tpu.memory_space<semaphore_mem>> -> memref<!tpu.dma_semaphore, #tpu.memory_space<semaphore_mem>>
    %dma_wait3A_199 = arith.constant 416 : i32
    %dma_wait3A_200 = arith.constant 0 : i32
    %dma_wait3A_201 = tpu.memref_slice %arg2[%dma_wait3A_199, %dma_wait3A_200] : memref<1024x100000xf32, #tpu.memory_space<any>> -> memref<32x100000xf32, #tpu.memory_space<any>>
    tpu.wait_dma2 semaphore(%dma_wait3A_198 : memref<!tpu.dma_semaphore, #tpu.memory_space<semaphore_mem>>) src(%arg3 : memref<32x100000xf32, #tpu.memory_space<vmem>>) dst(%dma_wait3A_201 : memref<32x100000xf32, #tpu.memory_space<any>>)
    %dma_start3A_202 = arith.constant 1 : i32
    %dma_start3A_203 = tpu.memref_slice %arg4[%dma_start3A_202] : memref<4x!tpu.dma_semaphore, #tpu.memory_space<semaphore_mem>> -> memref<1x!tpu.dma_semaphore, #tpu.memory_space<semaphore_mem>>
    %dma_start3A_204 = tpu.memref_squeeze %dma_start3A_203 : memref<1x!tpu.dma_semaphore, #tpu.memory_space<semaphore_mem>> -> memref<!tpu.dma_semaphore, #tpu.memory_space<semaphore_mem>>
    %dma_start3A_205 = arith.constant 544 : i32
    %dma_start3A_206 = arith.constant 0 : i32
    %dma_start3A_207 = tpu.memref_slice %arg2[%dma_start3A_205, %dma_start3A_206] : memref<1024x100000xf32, #tpu.memory_space<any>> -> memref<32x100000xf32, #tpu.memory_space<any>>
    tpu.enqueue_dma source(%arg3 : memref<32x100000xf32, #tpu.memory_space<vmem>>) target(%dma_start3A_207 : memref<32x100000xf32, #tpu.memory_space<any>>) target_semaphore(%dma_start3A_204 : memref<!tpu.dma_semaphore, #tpu.memory_space<semaphore_mem>>)
    %dma_wait3A_208 = arith.constant 2 : i32
    %dma_wait3A_209 = tpu.memref_slice %arg4[%dma_wait3A_208] : memref<4x!tpu.dma_semaphore, #tpu.memory_space<semaphore_mem>> -> memref<1x!tpu.dma_semaphore, #tpu.memory_space<semaphore_mem>>
    %dma_wait3A_210 = tpu.memref_squeeze %dma_wait3A_209 : memref<1x!tpu.dma_semaphore, #tpu.memory_space<semaphore_mem>> -> memref<!tpu.dma_semaphore, #tpu.memory_space<semaphore_mem>>
    %dma_wait3A_211 = arith.constant 448 : i32
    %dma_wait3A_212 = arith.constant 0 : i32
    %dma_wait3A_213 = tpu.memref_slice %arg2[%dma_wait3A_211, %dma_wait3A_212] : memref<1024x100000xf32, #tpu.memory_space<any>> -> memref<32x100000xf32, #tpu.memory_space<any>>
    tpu.wait_dma2 semaphore(%dma_wait3A_210 : memref<!tpu.dma_semaphore, #tpu.memory_space<semaphore_mem>>) src(%arg3 : memref<32x100000xf32, #tpu.memory_space<vmem>>) dst(%dma_wait3A_213 : memref<32x100000xf32, #tpu.memory_space<any>>)
    %dma_start3A_214 = arith.constant 2 : i32
    %dma_start3A_215 = tpu.memref_slice %arg4[%dma_start3A_214] : memref<4x!tpu.dma_semaphore, #tpu.memory_space<semaphore_mem>> -> memref<1x!tpu.dma_semaphore, #tpu.memory_space<semaphore_mem>>
    %dma_start3A_216 = tpu.memref_squeeze %dma_start3A_215 : memref<1x!tpu.dma_semaphore, #tpu.memory_space<semaphore_mem>> -> memref<!tpu.dma_semaphore, #tpu.memory_space<semaphore_mem>>
    %dma_start3A_217 = arith.constant 576 : i32
    %dma_start3A_218 = arith.constant 0 : i32
    %dma_start3A_219 = tpu.memref_slice %arg2[%dma_start3A_217, %dma_start3A_218] : memref<1024x100000xf32, #tpu.memory_space<any>> -> memref<32x100000xf32, #tpu.memory_space<any>>
    tpu.enqueue_dma source(%arg3 : memref<32x100000xf32, #tpu.memory_space<vmem>>) target(%dma_start3A_219 : memref<32x100000xf32, #tpu.memory_space<any>>) target_semaphore(%dma_start3A_216 : memref<!tpu.dma_semaphore, #tpu.memory_space<semaphore_mem>>)
    %dma_wait3A_220 = arith.constant 3 : i32
    %dma_wait3A_221 = tpu.memref_slice %arg4[%dma_wait3A_220] : memref<4x!tpu.dma_semaphore, #tpu.memory_space<semaphore_mem>> -> memref<1x!tpu.dma_semaphore, #tpu.memory_space<semaphore_mem>>
    %dma_wait3A_222 = tpu.memref_squeeze %dma_wait3A_221 : memref<1x!tpu.dma_semaphore, #tpu.memory_space<semaphore_mem>> -> memref<!tpu.dma_semaphore, #tpu.memory_space<semaphore_mem>>
    %dma_wait3A_223 = arith.constant 480 : i32
    %dma_wait3A_224 = arith.constant 0 : i32
    %dma_wait3A_225 = tpu.memref_slice %arg2[%dma_wait3A_223, %dma_wait3A_224] : memref<1024x100000xf32, #tpu.memory_space<any>> -> memref<32x100000xf32, #tpu.memory_space<any>>
    tpu.wait_dma2 semaphore(%dma_wait3A_222 : memref<!tpu.dma_semaphore, #tpu.memory_space<semaphore_mem>>) src(%arg3 : memref<32x100000xf32, #tpu.memory_space<vmem>>) dst(%dma_wait3A_225 : memref<32x100000xf32, #tpu.memory_space<any>>)
    %dma_start3A_226 = arith.constant 3 : i32
    %dma_start3A_227 = tpu.memref_slice %arg4[%dma_start3A_226] : memref<4x!tpu.dma_semaphore, #tpu.memory_space<semaphore_mem>> -> memref<1x!tpu.dma_semaphore, #tpu.memory_space<semaphore_mem>>
    %dma_start3A_228 = tpu.memref_squeeze %dma_start3A_227 : memref<1x!tpu.dma_semaphore, #tpu.memory_space<semaphore_mem>> -> memref<!tpu.dma_semaphore, #tpu.memory_space<semaphore_mem>>
    %dma_start3A_229 = arith.constant 608 : i32
    %dma_start3A_230 = arith.constant 0 : i32
    %dma_start3A_231 = tpu.memref_slice %arg2[%dma_start3A_229, %dma_start3A_230] : memref<1024x100000xf32, #tpu.memory_space<any>> -> memref<32x100000xf32, #tpu.memory_space<any>>
    tpu.enqueue_dma source(%arg3 : memref<32x100000xf32, #tpu.memory_space<vmem>>) target(%dma_start3A_231 : memref<32x100000xf32, #tpu.memory_space<any>>) target_semaphore(%dma_start3A_228 : memref<!tpu.dma_semaphore, #tpu.memory_space<semaphore_mem>>)
    %dma_wait3A_232 = arith.constant 0 : i32
    %dma_wait3A_233 = tpu.memref_slice %arg4[%dma_wait3A_232] : memref<4x!tpu.dma_semaphore, #tpu.memory_space<semaphore_mem>> -> memref<1x!tpu.dma_semaphore, #tpu.memory_space<semaphore_mem>>
    %dma_wait3A_234 = tpu.memref_squeeze %dma_wait3A_233 : memref<1x!tpu.dma_semaphore, #tpu.memory_space<semaphore_mem>> -> memref<!tpu.dma_semaphore, #tpu.memory_space<semaphore_mem>>
    %dma_wait3A_235 = arith.constant 512 : i32
    %dma_wait3A_236 = arith.constant 0 : i32
    %dma_wait3A_237 = tpu.memref_slice %arg2[%dma_wait3A_235, %dma_wait3A_236] : memref<1024x100000xf32, #tpu.memory_space<any>> -> memref<32x100000xf32, #tpu.memory_space<any>>
    tpu.wait_dma2 semaphore(%dma_wait3A_234 : memref<!tpu.dma_semaphore, #tpu.memory_space<semaphore_mem>>) src(%arg3 : memref<32x100000xf32, #tpu.memory_space<vmem>>) dst(%dma_wait3A_237 : memref<32x100000xf32, #tpu.memory_space<any>>)
    %dma_start3A_238 = arith.constant 0 : i32
    %dma_start3A_239 = tpu.memref_slice %arg4[%dma_start3A_238] : memref<4x!tpu.dma_semaphore, #tpu.memory_space<semaphore_mem>> -> memref<1x!tpu.dma_semaphore, #tpu.memory_space<semaphore_mem>>
    %dma_start3A_240 = tpu.memref_squeeze %dma_start3A_239 : memref<1x!tpu.dma_semaphore, #tpu.memory_space<semaphore_mem>> -> memref<!tpu.dma_semaphore, #tpu.memory_space<semaphore_mem>>
    %dma_start3A_241 = arith.constant 640 : i32
    %dma_start3A_242 = arith.constant 0 : i32
    %dma_start3A_243 = tpu.memref_slice %arg2[%dma_start3A_241, %dma_start3A_242] : memref<1024x100000xf32, #tpu.memory_space<any>> -> memref<32x100000xf32, #tpu.memory_space<any>>
    tpu.enqueue_dma source(%arg3 : memref<32x100000xf32, #tpu.memory_space<vmem>>) target(%dma_start3A_243 : memref<32x100000xf32, #tpu.memory_space<any>>) target_semaphore(%dma_start3A_240 : memref<!tpu.dma_semaphore, #tpu.memory_space<semaphore_mem>>)
    %dma_wait3A_244 = arith.constant 1 : i32
    %dma_wait3A_245 = tpu.memref_slice %arg4[%dma_wait3A_244] : memref<4x!tpu.dma_semaphore, #tpu.memory_space<semaphore_mem>> -> memref<1x!tpu.dma_semaphore, #tpu.memory_space<semaphore_mem>>
    %dma_wait3A_246 = tpu.memref_squeeze %dma_wait3A_245 : memref<1x!tpu.dma_semaphore, #tpu.memory_space<semaphore_mem>> -> memref<!tpu.dma_semaphore, #tpu.memory_space<semaphore_mem>>
    %dma_wait3A_247 = arith.constant 544 : i32
    %dma_wait3A_248 = arith.constant 0 : i32
    %dma_wait3A_249 = tpu.memref_slice %arg2[%dma_wait3A_247, %dma_wait3A_248] : memref<1024x100000xf32, #tpu.memory_space<any>> -> memref<32x100000xf32, #tpu.memory_space<any>>
    tpu.wait_dma2 semaphore(%dma_wait3A_246 : memref<!tpu.dma_semaphore, #tpu.memory_space<semaphore_mem>>) src(%arg3 : memref<32x100000xf32, #tpu.memory_space<vmem>>) dst(%dma_wait3A_249 : memref<32x100000xf32, #tpu.memory_space<any>>)
    %dma_start3A_250 = arith.constant 1 : i32
    %dma_start3A_251 = tpu.memref_slice %arg4[%dma_start3A_250] : memref<4x!tpu.dma_semaphore, #tpu.memory_space<semaphore_mem>> -> memref<1x!tpu.dma_semaphore, #tpu.memory_space<semaphore_mem>>
    %dma_start3A_252 = tpu.memref_squeeze %dma_start3A_251 : memref<1x!tpu.dma_semaphore, #tpu.memory_space<semaphore_mem>> -> memref<!tpu.dma_semaphore, #tpu.memory_space<semaphore_mem>>
    %dma_start3A_253 = arith.constant 672 : i32
    %dma_start3A_254 = arith.constant 0 : i32
    %dma_start3A_255 = tpu.memref_slice %arg2[%dma_start3A_253, %dma_start3A_254] : memref<1024x100000xf32, #tpu.memory_space<any>> -> memref<32x100000xf32, #tpu.memory_space<any>>
    tpu.enqueue_dma source(%arg3 : memref<32x100000xf32, #tpu.memory_space<vmem>>) target(%dma_start3A_255 : memref<32x100000xf32, #tpu.memory_space<any>>) target_semaphore(%dma_start3A_252 : memref<!tpu.dma_semaphore, #tpu.memory_space<semaphore_mem>>)
    %dma_wait3A_256 = arith.constant 2 : i32
    %dma_wait3A_257 = tpu.memref_slice %arg4[%dma_wait3A_256] : memref<4x!tpu.dma_semaphore, #tpu.memory_space<semaphore_mem>> -> memref<1x!tpu.dma_semaphore, #tpu.memory_space<semaphore_mem>>
    %dma_wait3A_258 = tpu.memref_squeeze %dma_wait3A_257 : memref<1x!tpu.dma_semaphore, #tpu.memory_space<semaphore_mem>> -> memref<!tpu.dma_semaphore, #tpu.memory_space<semaphore_mem>>
    %dma_wait3A_259 = arith.constant 576 : i32
    %dma_wait3A_260 = arith.constant 0 : i32
    %dma_wait3A_261 = tpu.memref_slice %arg2[%dma_wait3A_259, %dma_wait3A_260] : memref<1024x100000xf32, #tpu.memory_space<any>> -> memref<32x100000xf32, #tpu.memory_space<any>>
    tpu.wait_dma2 semaphore(%dma_wait3A_258 : memref<!tpu.dma_semaphore, #tpu.memory_space<semaphore_mem>>) src(%arg3 : memref<32x100000xf32, #tpu.memory_space<vmem>>) dst(%dma_wait3A_261 : memref<32x100000xf32, #tpu.memory_space<any>>)
    %dma_start3A_262 = arith.constant 2 : i32
    %dma_start3A_263 = tpu.memref_slice %arg4[%dma_start3A_262] : memref<4x!tpu.dma_semaphore, #tpu.memory_space<semaphore_mem>> -> memref<1x!tpu.dma_semaphore, #tpu.memory_space<semaphore_mem>>
    %dma_start3A_264 = tpu.memref_squeeze %dma_start3A_263 : memref<1x!tpu.dma_semaphore, #tpu.memory_space<semaphore_mem>> -> memref<!tpu.dma_semaphore, #tpu.memory_space<semaphore_mem>>
    %dma_start3A_265 = arith.constant 704 : i32
    %dma_start3A_266 = arith.constant 0 : i32
    %dma_start3A_267 = tpu.memref_slice %arg2[%dma_start3A_265, %dma_start3A_266] : memref<1024x100000xf32, #tpu.memory_space<any>> -> memref<32x100000xf32, #tpu.memory_space<any>>
    tpu.enqueue_dma source(%arg3 : memref<32x100000xf32, #tpu.memory_space<vmem>>) target(%dma_start3A_267 : memref<32x100000xf32, #tpu.memory_space<any>>) target_semaphore(%dma_start3A_264 : memref<!tpu.dma_semaphore, #tpu.memory_space<semaphore_mem>>)
    %dma_wait3A_268 = arith.constant 3 : i32
    %dma_wait3A_269 = tpu.memref_slice %arg4[%dma_wait3A_268] : memref<4x!tpu.dma_semaphore, #tpu.memory_space<semaphore_mem>> -> memref<1x!tpu.dma_semaphore, #tpu.memory_space<semaphore_mem>>
    %dma_wait3A_270 = tpu.memref_squeeze %dma_wait3A_269 : memref<1x!tpu.dma_semaphore, #tpu.memory_space<semaphore_mem>> -> memref<!tpu.dma_semaphore, #tpu.memory_space<semaphore_mem>>
    %dma_wait3A_271 = arith.constant 608 : i32
    %dma_wait3A_272 = arith.constant 0 : i32
    %dma_wait3A_273 = tpu.memref_slice %arg2[%dma_wait3A_271, %dma_wait3A_272] : memref<1024x100000xf32, #tpu.memory_space<any>> -> memref<32x100000xf32, #tpu.memory_space<any>>
    tpu.wait_dma2 semaphore(%dma_wait3A_270 : memref<!tpu.dma_semaphore, #tpu.memory_space<semaphore_mem>>) src(%arg3 : memref<32x100000xf32, #tpu.memory_space<vmem>>) dst(%dma_wait3A_273 : memref<32x100000xf32, #tpu.memory_space<any>>)
    %dma_start3A_274 = arith.constant 3 : i32
    %dma_start3A_275 = tpu.memref_slice %arg4[%dma_start3A_274] : memref<4x!tpu.dma_semaphore, #tpu.memory_space<semaphore_mem>> -> memref<1x!tpu.dma_semaphore, #tpu.memory_space<semaphore_mem>>
    %dma_start3A_276 = tpu.memref_squeeze %dma_start3A_275 : memref<1x!tpu.dma_semaphore, #tpu.memory_space<semaphore_mem>> -> memref<!tpu.dma_semaphore, #tpu.memory_space<semaphore_mem>>
    %dma_start3A_277 = arith.constant 736 : i32
    %dma_start3A_278 = arith.constant 0 : i32
    %dma_start3A_279 = tpu.memref_slice %arg2[%dma_start3A_277, %dma_start3A_278] : memref<1024x100000xf32, #tpu.memory_space<any>> -> memref<32x100000xf32, #tpu.memory_space<any>>
    tpu.enqueue_dma source(%arg3 : memref<32x100000xf32, #tpu.memory_space<vmem>>) target(%dma_start3A_279 : memref<32x100000xf32, #tpu.memory_space<any>>) target_semaphore(%dma_start3A_276 : memref<!tpu.dma_semaphore, #tpu.memory_space<semaphore_mem>>)
    %dma_wait3A_280 = arith.constant 0 : i32
    %dma_wait3A_281 = tpu.memref_slice %arg4[%dma_wait3A_280] : memref<4x!tpu.dma_semaphore, #tpu.memory_space<semaphore_mem>> -> memref<1x!tpu.dma_semaphore, #tpu.memory_space<semaphore_mem>>
    %dma_wait3A_282 = tpu.memref_squeeze %dma_wait3A_281 : memref<1x!tpu.dma_semaphore, #tpu.memory_space<semaphore_mem>> -> memref<!tpu.dma_semaphore, #tpu.memory_space<semaphore_mem>>
    %dma_wait3A_283 = arith.constant 640 : i32
    %dma_wait3A_284 = arith.constant 0 : i32
    %dma_wait3A_285 = tpu.memref_slice %arg2[%dma_wait3A_283, %dma_wait3A_284] : memref<1024x100000xf32, #tpu.memory_space<any>> -> memref<32x100000xf32, #tpu.memory_space<any>>
    tpu.wait_dma2 semaphore(%dma_wait3A_282 : memref<!tpu.dma_semaphore, #tpu.memory_space<semaphore_mem>>) src(%arg3 : memref<32x100000xf32, #tpu.memory_space<vmem>>) dst(%dma_wait3A_285 : memref<32x100000xf32, #tpu.memory_space<any>>)
    %dma_start3A_286 = arith.constant 0 : i32
    %dma_start3A_287 = tpu.memref_slice %arg4[%dma_start3A_286] : memref<4x!tpu.dma_semaphore, #tpu.memory_space<semaphore_mem>> -> memref<1x!tpu.dma_semaphore, #tpu.memory_space<semaphore_mem>>
    %dma_start3A_288 = tpu.memref_squeeze %dma_start3A_287 : memref<1x!tpu.dma_semaphore, #tpu.memory_space<semaphore_mem>> -> memref<!tpu.dma_semaphore, #tpu.memory_space<semaphore_mem>>
    %dma_start3A_289 = arith.constant 768 : i32
    %dma_start3A_290 = arith.constant 0 : i32
    %dma_start3A_291 = tpu.memref_slice %arg2[%dma_start3A_289, %dma_start3A_290] : memref<1024x100000xf32, #tpu.memory_space<any>> -> memref<32x100000xf32, #tpu.memory_space<any>>
    tpu.enqueue_dma source(%arg3 : memref<32x100000xf32, #tpu.memory_space<vmem>>) target(%dma_start3A_291 : memref<32x100000xf32, #tpu.memory_space<any>>) target_semaphore(%dma_start3A_288 : memref<!tpu.dma_semaphore, #tpu.memory_space<semaphore_mem>>)
    %dma_wait3A_292 = arith.constant 1 : i32
    %dma_wait3A_293 = tpu.memref_slice %arg4[%dma_wait3A_292] : memref<4x!tpu.dma_semaphore, #tpu.memory_space<semaphore_mem>> -> memref<1x!tpu.dma_semaphore, #tpu.memory_space<semaphore_mem>>
    %dma_wait3A_294 = tpu.memref_squeeze %dma_wait3A_293 : memref<1x!tpu.dma_semaphore, #tpu.memory_space<semaphore_mem>> -> memref<!tpu.dma_semaphore, #tpu.memory_space<semaphore_mem>>
    %dma_wait3A_295 = arith.constant 672 : i32
    %dma_wait3A_296 = arith.constant 0 : i32
    %dma_wait3A_297 = tpu.memref_slice %arg2[%dma_wait3A_295, %dma_wait3A_296] : memref<1024x100000xf32, #tpu.memory_space<any>> -> memref<32x100000xf32, #tpu.memory_space<any>>
    tpu.wait_dma2 semaphore(%dma_wait3A_294 : memref<!tpu.dma_semaphore, #tpu.memory_space<semaphore_mem>>) src(%arg3 : memref<32x100000xf32, #tpu.memory_space<vmem>>) dst(%dma_wait3A_297 : memref<32x100000xf32, #tpu.memory_space<any>>)
    %dma_start3A_298 = arith.constant 1 : i32
    %dma_start3A_299 = tpu.memref_slice %arg4[%dma_start3A_298] : memref<4x!tpu.dma_semaphore, #tpu.memory_space<semaphore_mem>> -> memref<1x!tpu.dma_semaphore, #tpu.memory_space<semaphore_mem>>
    %dma_start3A_300 = tpu.memref_squeeze %dma_start3A_299 : memref<1x!tpu.dma_semaphore, #tpu.memory_space<semaphore_mem>> -> memref<!tpu.dma_semaphore, #tpu.memory_space<semaphore_mem>>
    %dma_start3A_301 = arith.constant 800 : i32
    %dma_start3A_302 = arith.constant 0 : i32
    %dma_start3A_303 = tpu.memref_slice %arg2[%dma_start3A_301, %dma_start3A_302] : memref<1024x100000xf32, #tpu.memory_space<any>> -> memref<32x100000xf32, #tpu.memory_space<any>>
    tpu.enqueue_dma source(%arg3 : memref<32x100000xf32, #tpu.memory_space<vmem>>) target(%dma_start3A_303 : memref<32x100000xf32, #tpu.memory_space<any>>) target_semaphore(%dma_start3A_300 : memref<!tpu.dma_semaphore, #tpu.memory_space<semaphore_mem>>)
    %dma_wait3A_304 = arith.constant 2 : i32
    %dma_wait3A_305 = tpu.memref_slice %arg4[%dma_wait3A_304] : memref<4x!tpu.dma_semaphore, #tpu.memory_space<semaphore_mem>> -> memref<1x!tpu.dma_semaphore, #tpu.memory_space<semaphore_mem>>
    %dma_wait3A_306 = tpu.memref_squeeze %dma_wait3A_305 : memref<1x!tpu.dma_semaphore, #tpu.memory_space<semaphore_mem>> -> memref<!tpu.dma_semaphore, #tpu.memory_space<semaphore_mem>>
    %dma_wait3A_307 = arith.constant 704 : i32
    %dma_wait3A_308 = arith.constant 0 : i32
    %dma_wait3A_309 = tpu.memref_slice %arg2[%dma_wait3A_307, %dma_wait3A_308] : memref<1024x100000xf32, #tpu.memory_space<any>> -> memref<32x100000xf32, #tpu.memory_space<any>>
    tpu.wait_dma2 semaphore(%dma_wait3A_306 : memref<!tpu.dma_semaphore, #tpu.memory_space<semaphore_mem>>) src(%arg3 : memref<32x100000xf32, #tpu.memory_space<vmem>>) dst(%dma_wait3A_309 : memref<32x100000xf32, #tpu.memory_space<any>>)
    %dma_start3A_310 = arith.constant 2 : i32
    %dma_start3A_311 = tpu.memref_slice %arg4[%dma_start3A_310] : memref<4x!tpu.dma_semaphore, #tpu.memory_space<semaphore_mem>> -> memref<1x!tpu.dma_semaphore, #tpu.memory_space<semaphore_mem>>
    %dma_start3A_312 = tpu.memref_squeeze %dma_start3A_311 : memref<1x!tpu.dma_semaphore, #tpu.memory_space<semaphore_mem>> -> memref<!tpu.dma_semaphore, #tpu.memory_space<semaphore_mem>>
    %dma_start3A_313 = arith.constant 832 : i32
    %dma_start3A_314 = arith.constant 0 : i32
    %dma_start3A_315 = tpu.memref_slice %arg2[%dma_start3A_313, %dma_start3A_314] : memref<1024x100000xf32, #tpu.memory_space<any>> -> memref<32x100000xf32, #tpu.memory_space<any>>
    tpu.enqueue_dma source(%arg3 : memref<32x100000xf32, #tpu.memory_space<vmem>>) target(%dma_start3A_315 : memref<32x100000xf32, #tpu.memory_space<any>>) target_semaphore(%dma_start3A_312 : memref<!tpu.dma_semaphore, #tpu.memory_space<semaphore_mem>>)
    %dma_wait3A_316 = arith.constant 3 : i32
    %dma_wait3A_317 = tpu.memref_slice %arg4[%dma_wait3A_316] : memref<4x!tpu.dma_semaphore, #tpu.memory_space<semaphore_mem>> -> memref<1x!tpu.dma_semaphore, #tpu.memory_space<semaphore_mem>>
    %dma_wait3A_318 = tpu.memref_squeeze %dma_wait3A_317 : memref<1x!tpu.dma_semaphore, #tpu.memory_space<semaphore_mem>> -> memref<!tpu.dma_semaphore, #tpu.memory_space<semaphore_mem>>
    %dma_wait3A_319 = arith.constant 736 : i32
    %dma_wait3A_320 = arith.constant 0 : i32
    %dma_wait3A_321 = tpu.memref_slice %arg2[%dma_wait3A_319, %dma_wait3A_320] : memref<1024x100000xf32, #tpu.memory_space<any>> -> memref<32x100000xf32, #tpu.memory_space<any>>
    tpu.wait_dma2 semaphore(%dma_wait3A_318 : memref<!tpu.dma_semaphore, #tpu.memory_space<semaphore_mem>>) src(%arg3 : memref<32x100000xf32, #tpu.memory_space<vmem>>) dst(%dma_wait3A_321 : memref<32x100000xf32, #tpu.memory_space<any>>)
    %dma_start3A_322 = arith.constant 3 : i32
    %dma_start3A_323 = tpu.memref_slice %arg4[%dma_start3A_322] : memref<4x!tpu.dma_semaphore, #tpu.memory_space<semaphore_mem>> -> memref<1x!tpu.dma_semaphore, #tpu.memory_space<semaphore_mem>>
    %dma_start3A_324 = tpu.memref_squeeze %dma_start3A_323 : memref<1x!tpu.dma_semaphore, #tpu.memory_space<semaphore_mem>> -> memref<!tpu.dma_semaphore, #tpu.memory_space<semaphore_mem>>
    %dma_start3A_325 = arith.constant 864 : i32
    %dma_start3A_326 = arith.constant 0 : i32
    %dma_start3A_327 = tpu.memref_slice %arg2[%dma_start3A_325, %dma_start3A_326] : memref<1024x100000xf32, #tpu.memory_space<any>> -> memref<32x100000xf32, #tpu.memory_space<any>>
    tpu.enqueue_dma source(%arg3 : memref<32x100000xf32, #tpu.memory_space<vmem>>) target(%dma_start3A_327 : memref<32x100000xf32, #tpu.memory_space<any>>) target_semaphore(%dma_start3A_324 : memref<!tpu.dma_semaphore, #tpu.memory_space<semaphore_mem>>)
    %dma_wait3A_328 = arith.constant 0 : i32
    %dma_wait3A_329 = tpu.memref_slice %arg4[%dma_wait3A_328] : memref<4x!tpu.dma_semaphore, #tpu.memory_space<semaphore_mem>> -> memref<1x!tpu.dma_semaphore, #tpu.memory_space<semaphore_mem>>
    %dma_wait3A_330 = tpu.memref_squeeze %dma_wait3A_329 : memref<1x!tpu.dma_semaphore, #tpu.memory_space<semaphore_mem>> -> memref<!tpu.dma_semaphore, #tpu.memory_space<semaphore_mem>>
    %dma_wait3A_331 = arith.constant 768 : i32
    %dma_wait3A_332 = arith.constant 0 : i32
    %dma_wait3A_333 = tpu.memref_slice %arg2[%dma_wait3A_331, %dma_wait3A_332] : memref<1024x100000xf32, #tpu.memory_space<any>> -> memref<32x100000xf32, #tpu.memory_space<any>>
    tpu.wait_dma2 semaphore(%dma_wait3A_330 : memref<!tpu.dma_semaphore, #tpu.memory_space<semaphore_mem>>) src(%arg3 : memref<32x100000xf32, #tpu.memory_space<vmem>>) dst(%dma_wait3A_333 : memref<32x100000xf32, #tpu.memory_space<any>>)
    %dma_start3A_334 = arith.constant 0 : i32
    %dma_start3A_335 = tpu.memref_slice %arg4[%dma_start3A_334] : memref<4x!tpu.dma_semaphore, #tpu.memory_space<semaphore_mem>> -> memref<1x!tpu.dma_semaphore, #tpu.memory_space<semaphore_mem>>
    %dma_start3A_336 = tpu.memref_squeeze %dma_start3A_335 : memref<1x!tpu.dma_semaphore, #tpu.memory_space<semaphore_mem>> -> memref<!tpu.dma_semaphore, #tpu.memory_space<semaphore_mem>>
    %dma_start3A_337 = arith.constant 896 : i32
    %dma_start3A_338 = arith.constant 0 : i32
    %dma_start3A_339 = tpu.memref_slice %arg2[%dma_start3A_337, %dma_start3A_338] : memref<1024x100000xf32, #tpu.memory_space<any>> -> memref<32x100000xf32, #tpu.memory_space<any>>
    tpu.enqueue_dma source(%arg3 : memref<32x100000xf32, #tpu.memory_space<vmem>>) target(%dma_start3A_339 : memref<32x100000xf32, #tpu.memory_space<any>>) target_semaphore(%dma_start3A_336 : memref<!tpu.dma_semaphore, #tpu.memory_space<semaphore_mem>>)
    %dma_wait3A_340 = arith.constant 1 : i32
    %dma_wait3A_341 = tpu.memref_slice %arg4[%dma_wait3A_340] : memref<4x!tpu.dma_semaphore, #tpu.memory_space<semaphore_mem>> -> memref<1x!tpu.dma_semaphore, #tpu.memory_space<semaphore_mem>>
    %dma_wait3A_342 = tpu.memref_squeeze %dma_wait3A_341 : memref<1x!tpu.dma_semaphore, #tpu.memory_space<semaphore_mem>> -> memref<!tpu.dma_semaphore, #tpu.memory_space<semaphore_mem>>
    %dma_wait3A_343 = arith.constant 800 : i32
    %dma_wait3A_344 = arith.constant 0 : i32
    %dma_wait3A_345 = tpu.memref_slice %arg2[%dma_wait3A_343, %dma_wait3A_344] : memref<1024x100000xf32, #tpu.memory_space<any>> -> memref<32x100000xf32, #tpu.memory_space<any>>
    tpu.wait_dma2 semaphore(%dma_wait3A_342 : memref<!tpu.dma_semaphore, #tpu.memory_space<semaphore_mem>>) src(%arg3 : memref<32x100000xf32, #tpu.memory_space<vmem>>) dst(%dma_wait3A_345 : memref<32x100000xf32, #tpu.memory_space<any>>)
    %dma_start3A_346 = arith.constant 1 : i32
    %dma_start3A_347 = tpu.memref_slice %arg4[%dma_start3A_346] : memref<4x!tpu.dma_semaphore, #tpu.memory_space<semaphore_mem>> -> memref<1x!tpu.dma_semaphore, #tpu.memory_space<semaphore_mem>>
    %dma_start3A_348 = tpu.memref_squeeze %dma_start3A_347 : memref<1x!tpu.dma_semaphore, #tpu.memory_space<semaphore_mem>> -> memref<!tpu.dma_semaphore, #tpu.memory_space<semaphore_mem>>
    %dma_start3A_349 = arith.constant 928 : i32
    %dma_start3A_350 = arith.constant 0 : i32
    %dma_start3A_351 = tpu.memref_slice %arg2[%dma_start3A_349, %dma_start3A_350] : memref<1024x100000xf32, #tpu.memory_space<any>> -> memref<32x100000xf32, #tpu.memory_space<any>>
    tpu.enqueue_dma source(%arg3 : memref<32x100000xf32, #tpu.memory_space<vmem>>) target(%dma_start3A_351 : memref<32x100000xf32, #tpu.memory_space<any>>) target_semaphore(%dma_start3A_348 : memref<!tpu.dma_semaphore, #tpu.memory_space<semaphore_mem>>)
    %dma_wait3A_352 = arith.constant 2 : i32
    %dma_wait3A_353 = tpu.memref_slice %arg4[%dma_wait3A_352] : memref<4x!tpu.dma_semaphore, #tpu.memory_space<semaphore_mem>> -> memref<1x!tpu.dma_semaphore, #tpu.memory_space<semaphore_mem>>
    %dma_wait3A_354 = tpu.memref_squeeze %dma_wait3A_353 : memref<1x!tpu.dma_semaphore, #tpu.memory_space<semaphore_mem>> -> memref<!tpu.dma_semaphore, #tpu.memory_space<semaphore_mem>>
    %dma_wait3A_355 = arith.constant 832 : i32
    %dma_wait3A_356 = arith.constant 0 : i32
    %dma_wait3A_357 = tpu.memref_slice %arg2[%dma_wait3A_355, %dma_wait3A_356] : memref<1024x100000xf32, #tpu.memory_space<any>> -> memref<32x100000xf32, #tpu.memory_space<any>>
    tpu.wait_dma2 semaphore(%dma_wait3A_354 : memref<!tpu.dma_semaphore, #tpu.memory_space<semaphore_mem>>) src(%arg3 : memref<32x100000xf32, #tpu.memory_space<vmem>>) dst(%dma_wait3A_357 : memref<32x100000xf32, #tpu.memory_space<any>>)
    %dma_start3A_358 = arith.constant 2 : i32
    %dma_start3A_359 = tpu.memref_slice %arg4[%dma_start3A_358] : memref<4x!tpu.dma_semaphore, #tpu.memory_space<semaphore_mem>> -> memref<1x!tpu.dma_semaphore, #tpu.memory_space<semaphore_mem>>
    %dma_start3A_360 = tpu.memref_squeeze %dma_start3A_359 : memref<1x!tpu.dma_semaphore, #tpu.memory_space<semaphore_mem>> -> memref<!tpu.dma_semaphore, #tpu.memory_space<semaphore_mem>>
    %dma_start3A_361 = arith.constant 960 : i32
    %dma_start3A_362 = arith.constant 0 : i32
    %dma_start3A_363 = tpu.memref_slice %arg2[%dma_start3A_361, %dma_start3A_362] : memref<1024x100000xf32, #tpu.memory_space<any>> -> memref<32x100000xf32, #tpu.memory_space<any>>
    tpu.enqueue_dma source(%arg3 : memref<32x100000xf32, #tpu.memory_space<vmem>>) target(%dma_start3A_363 : memref<32x100000xf32, #tpu.memory_space<any>>) target_semaphore(%dma_start3A_360 : memref<!tpu.dma_semaphore, #tpu.memory_space<semaphore_mem>>)
    %dma_wait3A_364 = arith.constant 3 : i32
    %dma_wait3A_365 = tpu.memref_slice %arg4[%dma_wait3A_364] : memref<4x!tpu.dma_semaphore, #tpu.memory_space<semaphore_mem>> -> memref<1x!tpu.dma_semaphore, #tpu.memory_space<semaphore_mem>>
    %dma_wait3A_366 = tpu.memref_squeeze %dma_wait3A_365 : memref<1x!tpu.dma_semaphore, #tpu.memory_space<semaphore_mem>> -> memref<!tpu.dma_semaphore, #tpu.memory_space<semaphore_mem>>
    %dma_wait3A_367 = arith.constant 864 : i32
    %dma_wait3A_368 = arith.constant 0 : i32
    %dma_wait3A_369 = tpu.memref_slice %arg2[%dma_wait3A_367, %dma_wait3A_368] : memref<1024x100000xf32, #tpu.memory_space<any>> -> memref<32x100000xf32, #tpu.memory_space<any>>
    tpu.wait_dma2 semaphore(%dma_wait3A_366 : memref<!tpu.dma_semaphore, #tpu.memory_space<semaphore_mem>>) src(%arg3 : memref<32x100000xf32, #tpu.memory_space<vmem>>) dst(%dma_wait3A_369 : memref<32x100000xf32, #tpu.memory_space<any>>)
    %dma_start3A_370 = arith.constant 3 : i32
    %dma_start3A_371 = tpu.memref_slice %arg4[%dma_start3A_370] : memref<4x!tpu.dma_semaphore, #tpu.memory_space<semaphore_mem>> -> memref<1x!tpu.dma_semaphore, #tpu.memory_space<semaphore_mem>>
    %dma_start3A_372 = tpu.memref_squeeze %dma_start3A_371 : memref<1x!tpu.dma_semaphore, #tpu.memory_space<semaphore_mem>> -> memref<!tpu.dma_semaphore, #tpu.memory_space<semaphore_mem>>
    %dma_start3A_373 = arith.constant 992 : i32
    %dma_start3A_374 = arith.constant 0 : i32
    %dma_start3A_375 = tpu.memref_slice %arg2[%dma_start3A_373, %dma_start3A_374] : memref<1024x100000xf32, #tpu.memory_space<any>> -> memref<32x100000xf32, #tpu.memory_space<any>>
    tpu.enqueue_dma source(%arg3 : memref<32x100000xf32, #tpu.memory_space<vmem>>) target(%dma_start3A_375 : memref<32x100000xf32, #tpu.memory_space<any>>) target_semaphore(%dma_start3A_372 : memref<!tpu.dma_semaphore, #tpu.memory_space<semaphore_mem>>)
    %dma_wait3A_376 = arith.constant 0 : i32
    %dma_wait3A_377 = tpu.memref_slice %arg4[%dma_wait3A_376] : memref<4x!tpu.dma_semaphore, #tpu.memory_space<semaphore_mem>> -> memref<1x!tpu.dma_semaphore, #tpu.memory_space<semaphore_mem>>
    %dma_wait3A_378 = tpu.memref_squeeze %dma_wait3A_377 : memref<1x!tpu.dma_semaphore, #tpu.memory_space<semaphore_mem>> -> memref<!tpu.dma_semaphore, #tpu.memory_space<semaphore_mem>>
    %dma_wait3A_379 = arith.constant 896 : i32
    %dma_wait3A_380 = arith.constant 0 : i32
    %dma_wait3A_381 = tpu.memref_slice %arg2[%dma_wait3A_379, %dma_wait3A_380] : memref<1024x100000xf32, #tpu.memory_space<any>> -> memref<32x100000xf32, #tpu.memory_space<any>>
    tpu.wait_dma2 semaphore(%dma_wait3A_378 : memref<!tpu.dma_semaphore, #tpu.memory_space<semaphore_mem>>) src(%arg3 : memref<32x100000xf32, #tpu.memory_space<vmem>>) dst(%dma_wait3A_381 : memref<32x100000xf32, #tpu.memory_space<any>>)
    %dma_wait3A_382 = arith.constant 1 : i32
    %dma_wait3A_383 = tpu.memref_slice %arg4[%dma_wait3A_382] : memref<4x!tpu.dma_semaphore, #tpu.memory_space<semaphore_mem>> -> memref<1x!tpu.dma_semaphore, #tpu.memory_space<semaphore_mem>>
    %dma_wait3A_384 = tpu.memref_squeeze %dma_wait3A_383 : memref<1x!tpu.dma_semaphore, #tpu.memory_space<semaphore_mem>> -> memref<!tpu.dma_semaphore, #tpu.memory_space<semaphore_mem>>
    %dma_wait3A_385 = arith.constant 928 : i32
    %dma_wait3A_386 = arith.constant 0 : i32
    %dma_wait3A_387 = tpu.memref_slice %arg2[%dma_wait3A_385, %dma_wait3A_386] : memref<1024x100000xf32, #tpu.memory_space<any>> -> memref<32x100000xf32, #tpu.memory_space<any>>
    tpu.wait_dma2 semaphore(%dma_wait3A_384 : memref<!tpu.dma_semaphore, #tpu.memory_space<semaphore_mem>>) src(%arg3 : memref<32x100000xf32, #tpu.memory_space<vmem>>) dst(%dma_wait3A_387 : memref<32x100000xf32, #tpu.memory_space<any>>)
    %dma_wait3A_388 = arith.constant 2 : i32
    %dma_wait3A_389 = tpu.memref_slice %arg4[%dma_wait3A_388] : memref<4x!tpu.dma_semaphore, #tpu.memory_space<semaphore_mem>> -> memref<1x!tpu.dma_semaphore, #tpu.memory_space<semaphore_mem>>
    %dma_wait3A_390 = tpu.memref_squeeze %dma_wait3A_389 : memref<1x!tpu.dma_semaphore, #tpu.memory_space<semaphore_mem>> -> memref<!tpu.dma_semaphore, #tpu.memory_space<semaphore_mem>>
    %dma_wait3A_391 = arith.constant 960 : i32
    %dma_wait3A_392 = arith.constant 0 : i32
    %dma_wait3A_393 = tpu.memref_slice %arg2[%dma_wait3A_391, %dma_wait3A_392] : memref<1024x100000xf32, #tpu.memory_space<any>> -> memref<32x100000xf32, #tpu.memory_space<any>>
    tpu.wait_dma2 semaphore(%dma_wait3A_390 : memref<!tpu.dma_semaphore, #tpu.memory_space<semaphore_mem>>) src(%arg3 : memref<32x100000xf32, #tpu.memory_space<vmem>>) dst(%dma_wait3A_393 : memref<32x100000xf32, #tpu.memory_space<any>>)
    %dma_wait3A_394 = arith.constant 3 : i32
    %dma_wait3A_395 = tpu.memref_slice %arg4[%dma_wait3A_394] : memref<4x!tpu.dma_semaphore, #tpu.memory_space<semaphore_mem>> -> memref<1x!tpu.dma_semaphore, #tpu.memory_space<semaphore_mem>>
    %dma_wait3A_396 = tpu.memref_squeeze %dma_wait3A_395 : memref<1x!tpu.dma_semaphore, #tpu.memory_space<semaphore_mem>> -> memref<!tpu.dma_semaphore, #tpu.memory_space<semaphore_mem>>
    %dma_wait3A_397 = arith.constant 992 : i32
    %dma_wait3A_398 = arith.constant 0 : i32
    %dma_wait3A_399 = tpu.memref_slice %arg2[%dma_wait3A_397, %dma_wait3A_398] : memref<1024x100000xf32, #tpu.memory_space<any>> -> memref<32x100000xf32, #tpu.memory_space<any>>
    tpu.wait_dma2 semaphore(%dma_wait3A_396 : memref<!tpu.dma_semaphore, #tpu.memory_space<semaphore_mem>>) src(%arg3 : memref<32x100000xf32, #tpu.memory_space<vmem>>) dst(%dma_wait3A_399 : memref<32x100000xf32, #tpu.memory_space<any>>)
    return
  }
}

</mosaic_0001>

<sc_bundles>
// kernel: kernel.4.cloned.1.call-start
scs
__scs_entry_jumppad:
0x0: {  	(pc) =	sbr.rel $0x88, $3  }
0x1: {  	(tag) =	ssettag $0x0;
	lr =	simm.s32 $0x1  }
0x2: {  	[smem:$0x3F9F] =	sst lr;
	_ =	strace $0xD0000000  }
0x3: {  	_ = 	snop  }
0x4: {  	_ = 	snop  }
0x5: {  	_ = 	snop  }
0x6: {  	_ = 	snop  }
0x7: {  	_ = 	snop  }
__scs_overlays_trampoline_lowered:
0x8: {  	[smem:$0x3FAE] =	sst s0  }
0x9: {  	[smem:$0x3FAF] =	sst s1  }
0xa: {  	[smem:$0x3FB0] =	sst s2  }
0xb: {  	[smem:$0x3FB1] =	sst s3  }
0xc: {  	[smem:$0x3FB2] =	sst s4  }
0xd: {  	[smem:$0x3FB3] =	sst s5  }
0xe: {  	[smem:$0x3FB4] =	sst s6  }
0xf: {  	[smem:$0x3FB5] =	sst s7  }
0x10: {  	[smem:$0x3FB6] =	sst s8  }
0x11: {  	[smem:$0x3FB7] =	sst s9;
	s0 =	simm.s32 @!p0 $0x0  }
0x12: {  	s1 =	sld [smem:$0x3F9D];
	s0 =	simm.s32 @p0 $0x1  }
0x13: {  	[smem:$0x3FB8] =	sst s0;
	s0 =	simm.s32 @!p1 $0x0  }
0x14: {  	s2 =	sld [smem:$0x3F9C];
	s0 =	simm.s32 @p1 $0x1  }
0x15: {  	[smem:$0x3FB9] =	sst s0;
	s0 =	simm.s32 @!p2 $0x0  }
0x16: {  	s3 =	sld [smem:$0x3FDB];
	s0 =	simm.s32 @p2 $0x1  }
0x17: {  	s4 =	simm.s32 $0x1BF5;
	[smem:$0x3FBB] =	sst s0  }
0x18: {  	s0 =	sld [smem:$0x3F9E];
	_ =	swait.ge [sflag:s4], $0x0  }
0x19: {  	s7 =	sld [smem:$0x3F9F]  }
0x1a: {  	s8 =	sadd.s32 $0xFFFFE003, lr  }
0x1b: {  	s9 =	sadd.s32 $0xFFFFFEF7, lr;
	s5 =	simm.s32 $0xFFFFFFFF;
	p2 =	slt.u32 s8, $0xFFFFF086  }
0x1c: {  	p1 =	slt.u32 s9, $0xF7A;
	s5 =	simm.s32 @!p2 $0x0  }
0x1d: {  	s5 =	simm.s32 @p1 $0x1;
	p0 =	seq.s32 s7, s2  }
0x1e: {  	s7 =	smul.u32 @!p0 $0xF7A, s2;
	p2 =	seq.s32 @!p0 s5, $0x0  }
0x1f: {  	s9 =	smul.u32 $0xF7A, s1;
	s8 =	simm.s32 @!p0 $0x1BF5;
	p2 =	por !p2, p0  }
0x20: {  	[sflag:s8] =	ssyncset.s32 @!p0 $0xFFFFF086;
	s6 =	sadd.s32 @!p0 s3, s7;
	s7 =	simm.s32 @!p0 $0x108  }
0x21: {  	s3 =	sadd.s32 s3, s9;
	s6 =	sadd.s32 @!p0 $0x88, s6;
	s7 =	simm.s32 @p2 $0x1082  }
0x22: {  	[simem:s7], [sflag:s8] =	dma.local @!p0 [hbm:s6], $0xF7A  }
0x23: {  	s9 =	sor.u32 $0xD0000000, s2;
	s6 =	simm.s32 $0x108;
	_ =	swait.ge @!p0 [sflag:s8], $0x0  }
0x24: {  	s3 =	sadd.s32 $0x88, s3;
	s6 =	simm.s32 @!p1 $0x1082;
	[sflag:s4] =	ssyncset.s32 $0xFFFFF086  }
0x25: {  	[simem:s6], [sflag:s4] =	dma.local [hbm:s3], $0xF7A  }
0x26: {  	[smem:$0x3F9F] =	sst s1;
	(tag) =	ssettag s2;
	_ =	strace s9  }
0x27: {  	s1 =	sld [smem:$0x3FAF]  }
0x28: {  	s2 =	sld [smem:$0x3FB0]  }
0x29: {  	s4 =	sld [smem:$0x3FB2]  }
0x2a: {  	p0 =	seq.s32 s5, $0x0;
	s5 =	sld [smem:$0x3FB3]  }
0x2b: {  	s6 =	sld [smem:$0x3FB4]  }
0x2c: {  	s7 =	sld [smem:$0x3FB5]  }
0x2d: {  	s3 =	simm.s32 $0x108;
	s8 =	sld [smem:$0x3FB6]  }
0x2e: {  	s3 =	simm.s32 @!p0 $0x1082;
	s9 =	sld [smem:$0x3FB7]  }
0x2f: {  	lr =	sadd.s32 s0, s3;
	s0 =	sld [smem:$0x3FAE]  }
0x30: {  	s3 =	sld [smem:$0x3FB1]  }
0x31: {  	[smem:$0x3FBA] =	sst s10  }
0x32: {  	s10 =	sld [smem:$0x3FB8];
	_ =	sdelay $0x3  }
0x33: {  	p0 =	seq.s32 s10, $0x1;
	s10 =	sld [smem:$0x3FBA];
	_ =	sdelay $0x3  }
0x34: {  	[smem:$0x3FBA] =	sst s10  }
0x35: {  	s10 =	sld [smem:$0x3FB9];
	_ =	sdelay $0x3  }
0x36: {  	p1 =	seq.s32 s10, $0x1;
	s10 =	sld [smem:$0x3FBA];
	_ =	sdelay $0x3  }
0x37: {  	[smem:$0x3FBA] =	sst s10  }
0x38: {  	s10 =	sld [smem:$0x3FBB]  }
0x39: {  	_ = 	snop;
	(pc) =	sbr.ind lr, $3  }
0x3a: {  	_ = 	snop  }
0x3b: {  	_ = 	snop  }
0x3c: {  	p2 =	seq.s32 s10, $0x1;
	s10 =	sld [smem:$0x3FBA]  }
0x3d: {  	_ =	shalt  }
0x3e: {  	_ =	shalt  }
0x3f: {  	_ =	shalt  }
0x40: {  	_ =	shalt  }
0x41: {  	_ =	shalt  }
0x42: {  	_ =	shalt  }
0x43: {  	_ =	shalt  }
0x44: {  	_ =	shalt  }
0x45: {  	_ =	shalt  }
0x46: {  	_ =	shalt  }
0x47: {  	_ =	shalt  }
0x48: {  	_ =	shalt  }
0x49: {  	_ =	shalt  }
0x4a: {  	_ =	shalt  }
0x4b: {  	_ =	shalt  }
0x4c: {  	_ =	shalt  }
0x4d: {  	_ =	shalt  }
0x4e: {  	_ =	shalt  }
0x4f: {  	_ =	shalt  }
0x50: {  	_ =	shalt  }
0x51: {  	_ =	shalt  }
0x52: {  	_ =	shalt  }
0x53: {  	_ =	shalt  }
0x54: {  	_ =	shalt  }
0x55: {  	_ =	shalt  }
0x56: {  	_ =	shalt  }
0x57: {  	_ =	shalt  }
0x58: {  	_ =	shalt  }
0x59: {  	_ =	shalt  }
0x5a: {  	_ =	shalt  }
0x5b: {  	_ =	shalt  }
0x5c: {  	_ =	shalt  }
0x5d: {  	_ =	shalt  }
0x5e: {  	_ =	shalt  }
0x5f: {  	_ =	shalt  }
0x60: {  	_ =	shalt  }
0x61: {  	_ =	shalt  }
0x62: {  	_ =	shalt  }
0x63: {  	_ =	shalt  }
0x64: {  	_ =	shalt  }
0x65: {  	_ =	shalt  }
0x66: {  	_ =	shalt  }
0x67: {  	_ =	shalt  }
0x68: {  	_ =	shalt  }
0x69: {  	_ =	shalt  }
0x6a: {  	_ =	shalt  }
0x6b: {  	_ =	shalt  }
0x6c: {  	_ =	shalt  }
0x6d: {  	_ =	shalt  }
0x6e: {  	_ =	shalt  }
0x6f: {  	_ =	shalt  }
0x70: {  	_ =	shalt  }
0x71: {  	_ =	shalt  }
0x72: {  	_ =	shalt  }
0x73: {  	_ =	shalt  }
0x74: {  	_ =	shalt  }
0x75: {  	_ =	shalt  }
0x76: {  	_ =	shalt  }
0x77: {  	_ =	shalt  }
0x78: {  	_ =	shalt  }
0x79: {  	_ =	shalt  }
0x7a: {  	_ =	shalt  }
0x7b: {  	_ =	shalt  }
0x7c: {  	_ =	shalt  }
0x7d: {  	_ =	shalt  }
0x7e: {  	_ =	shalt  }
0x7f: {  	_ =	shalt  }
0x80: {  	_ =	shalt  }
0x81: {  	_ =	shalt  }
0x82: {  	_ =	shalt  }
0x83: {  	_ =	shalt  }
0x84: {  	_ =	shalt  }
0x85: {  	_ =	shalt  }
0x86: {  	_ =	shalt  }
0x87: {  	_ =	shalt  }
.Lfunc_end0:
.L_simem_size_0:
called_computation_lowered:
.L_overlay_start_0:
0x88: {  	s2 =	sld [smem:$0x3FD9]  }
0x89: {  	s3 =	sld [smem:$0x3FFE];
	_ =	sdelay $0x1  }
0x8a: {  	s1 =	srdreg.scid  }
0x8b: {  	s0 =	sand.u32 $0x1, s1  }
0x8c: {  	s17 =	sshll.u32 s0, $0xA;
	s2 =	sadd.s32 s3, s2  }
0x8d: {  	s2 =	sadd.s32 s2, s17  }
0x8e: {  	[smem:$0x3FC6] =	sst s2  }
0x8f: {  	_ = 	snop  }
0x90: {  	s2 =	sld [smem:$0x3FD0];
	(tm) =	ssettm $0x1  }
0x91: {  	s18 =	sld [smem:$0x3FFB];
	_ =	sdelay $0x3  }
0x92: {  	_ =	strace s18  }
0x93: {  	s3 =	sld [smem:$0x3FFC];
	_ =	sdelay $0x3  }
0x94: {  	_ =	strace s3  }
0x95: {  	s3 =	sld [smem:$0x3FFD];
	_ =	sdelay $0x3  }
0x96: {  	_ =	strace s3  }
0x97: {  	_ =	strace $0x8FFFFFFF  }
0x98: {  	s19 =	sld [smem:$0x3FDB];
	_ =	sdelay $0x1  }
0x99: {  	s4 =	simm.s32 $_scs_section_size  }
0x9a: {  	s5 =	simm.s32 $_size__tile_overlayer_lowered;
	s6 =	simm.s32 $_tile_overlayer_lowered  }
0x9b: {  	s22 =	simm.s32 $0x1BFF;
	s21 =	sshll.u32 s6, $0x1;
	s3 =	sadd.s32 s4, s19  }
0x9c: {  	s7 =	simm.s32 $0x0;
	s20 =	sshll.u32 s5, $0x1;
	s5 =	sadd.s32 s21, s3  }
0x9d: {  	[timem:s7], [sflag:s22] =	dma.local [hbm:s5], s20  }
0x9e: {  	_ =	swait.ge [sflag:s22], s20  }
0x9f: {  	s4 =	ssub.s32 $0x0, s20;
	[sflag:s22] =	ssyncset.done $0x0  }
0xa0: {  	[sflag:s22] =	ssyncadd.s32 s4;
	_ =	sdelay $0x1  }
0xa1: {  	s23 =	simm.s32 $0x1B8B  }
0xa2: {  	_ =	swait.ge [sflag:s23], $0x1  }
0xa3: {  	[sflag:s23] =	ssyncset.done $0x0  }
0xa4: {  	s25 =	simm.s32 $0x1B8E;
	s24 =	sld [smem:$0x3FFE];
	[sflag:s23] =	ssyncadd.s32 $0xFFFFFFFF  }
0xa5: {  	s26 =	simm.s32 $execute0_lowered;
	[smem:$0x3FD2] =	sst s25  }
0xa6: {  	s5 =	sshll.u32 s26, $0x1;
	_ =	strace $0x80000046;
	[dreg:$0x1] =	wrdreg $0xFFFFFFFF  }
0xa7: {  	s28 =	simm.s32 $_size_execute0_lowered;
	s3 =	sadd.s32 s3, s5;
	[dreg:$0x0] =	wrdreg $0x0  }
0xa8: {  	s5 =	sshll.u32 s28, $0x1;
	[dreg:$0x2] =	wrdreg s3  }
0xa9: {  	[dreg:$0x3] =	wrdreg s5  }
0xaa: {  	[dreg:$0x4] =	wrdreg $0xC0  }
0xab: {  	_ =	task [dreg:s7], $0x5FFFF  }
0xac: {  	[dreg:$0x1] =	wrdreg $0xFFFFFFFF  }
0xad: {  	[dreg:$0x0] =	wrdreg $0x60  }
0xae: {  	[dreg:$0x2] =	wrdreg s24  }
0xaf: {  	[dreg:$0x3] =	wrdreg s2  }
0xb0: {  	[dreg:$0x4] =	wrdreg $0x9  }
0xb1: {  	_ =	task.clear_ibuf [dreg:s7], $0x5FFFF;
	_ =	strace $0x90000046  }
0xb2: {  	s29 =	simm.s32 $0x9;
	_ =	strace $0x80000048  }
0xb3: {  	_ =	swait.ge [sflag:s29], $0x1  }
0xb4: {  	[sflag:s29] =	ssyncadd.s32 $0xFFFFFFFF  }
0xb5: {  	_ =	strace $0x90000048  }
0xb6: {  	_ =	sfence  }
0xb7: {  	s30 =	sld [smem:$0x0];
	_ =	sdelay $0x2  }
0xb8: {  	s31 =	sshll.u32 s1, $0xD;
	s1 =	sshrl.u32 s1, $0x2  }
0xb9: {  	s3 =	sand.u32 $0x4000, s31;
	s1 =	sadd.s32 s1, s30  }
0xba: {  	s0 =	sor.u32 s3, s0;
	s1 =	sshll.u32 s1, $0x11  }
0xbb: {  	s0 =	sor.u32 s1, s0  }
0xbc: {  	s0 =	sadd.s32 $0x8F2B, s0  }
0xbd: {  	[sflag:s0] =	ssyncadd.remote.s32 $0x1  }
0xbe: {  	_ =	sfence.sel $0xFFFF  }
0xbf: {  	[dreg:$0x0] =	wrdreg $0xFFFFFFFF;
	(pc) =	sbr.abs _section_cstart, $3  }
0xc0: {  	[dreg:$0x1] =	wrdreg $0xFFFFFFFF  }
0xc1: {  	_ =	task.clear_ibuf [dreg:s7], $0x2FFFF;
	_ =	strace $0x9FFFFFFF  }
0xc2: {  	(tm) =	ssettm $0x7FFFFFFF  }
0xc3: {  	_ =	shalt  }
tec
execute0_lowered:
.L_overlay_start_1:
0x0: {  	(tag) =	ssettag $0x1  }
0x1: {  	s3 =	rddreg [dreg:$0x0]  }
0x2: {  	s7 =	rddreg [dreg:$0x1];
	s1 =	stileid.u32  }
0x3: {  	s0 =	rddreg [dreg:$0x2];
	s2 =	srdreg.scid  }
0x4: {  	s11 =	simm.s32 $0x3200;
	s13 =	simm.s32 $0x3;
	s14 =	simm.s32 $0x0  }
0x5: {  	s4 =	sshll.u32 s1, $0x1;
	s5 =	sshrl.u32 s1, $0x1;
	s6 =	sand.u32 $0x1, s2  }
0x6: {  	s2 =	simm.s32 $0x0;
	s4 =	sand.u32 $0x2, s4;
	s8 =	smul.u32 $0x6400, s5  }
0x7: {  	[smem:$0x7FF] =	sst s2;
	s5 =	smul.u32 $0x19000, s5;
	s4 =	sor.u32 s6, s4  }
0x8: {  	s6 =	ssub.s32 $0x2, s6;
	s12 =	smul.u32 $0x6400, s4;
	s29 =	sshrl.u32 s8, $0x3  }
0x9: {  	_ =	strace $0x80000047;
	s30 =	sshrl.u32 s6, $0x1;
	s8 =	sadd.s32 s29, s3  }
0xa: {  	s9 =	ssub.s32 s6, s30;
	s3 =	sadd.s32 $0x400, s8;
	s31 =	sadd.s32 s5, s12  }
0xb: {  	s4 =	sadd.s32 $0x720, s8;
	s5 =	sadd.s32 $0xA40, s8;
	s6 =	sadd.s32 $0xD60, s8  }
0xc: {  	s8 =	smax.u32 s9, $0x1;
	s9 =	simm.s32 $0x1900;
	s10 =	sshrl.u32 s31, $0x3  }
0xd: {  	v1 =	vimm.f32 $0.0e+00;
	v2 =	vimm.f32 $1.000000000e+00;
	v0 =	vmov s12;
	s12 =	simm.s32 $0x2;
	s7 =	sadd.s32 s7, s10;
	s10 =	simm.s32 $0x1  }
.LBB2_1:
0xe: {  	s15 =	simm.s32 $0x40;
	s16 =	simm.s32 $0x0  }
.LBB2_2:
0xf: {  	p0 =	sne.s32 s15, $0x18FC0;
	[tilespmem:s16+$0x3200] =	vst v1;
	s16 =	smov.u32 s15;
	s15 =	sadd.s32 $0x40, s15  }
.Ltmp0:
0x10: {  	(pc) =	sbr.rel @p0 .LBB2_2-.Ltmp0, $2  }
0x11: {  	_ =	sdelay $0x2  }
0x12: {  	s16 =	sshra.s32 s16, $0x2  }
0x13: {  	[tilespmem:s16+$0x3200] =	vst v1;
	s15 =	simm.s32 $0x0  }
0x14: {  	[tilespmem:s15], [sflag:$0x1] =	stream.linear.gather [hbm4b:s3+s15], $0x1900, $0x38;
	[tilespmem:$0x9600] =	vst v63  }
0x15: {  	_ = 	snop  }
0x16: {  	[tilespmem:s9], [sflag:$0x2] =	stream.linear.gather [hbm4b:s4+s15], $0x1900, $0x38;
	[tilespmem:$0x9600] =	vst v63  }
0x17: {  	_ =	swait.ge [sflag:s10], $0x1900  }
0x18: {  	[sflag:s10] =	ssyncset.done $0x0  }
0x19: {  	s16 =	simm.s32 $0x0;
	s15 =	simm.s32 $0x40;
	[sflag:s10] =	ssyncadd.s32 $0xFFFFE700  }
.LBB2_4:
0x1a: {  	p0 =	sne.s32 s15, $0x63C0;
	v3 =	vld [tilespmem:s16+$0x0];
	_ =	sdelay $0x4  }
0x1b: {  	v4 =	vsub.s32 v3, v0  }
0x1c: {  	v3 =	vand.u32 $0x7F, v3;
	vm0 =	vlt.u32 v4, $0x6400;
	v4 =	vand.u32 $0xFFFFFF80, v4  }
0x1d: {  	v3 =	vor.u32 v3, v4  }
.Ltmp1:
0x1e: {  	(pc) =	sbr.rel @p0 .LBB2_4-.Ltmp1, $2  }
0x1f: {  	_ =	sdelay $0x2  }
0x20: {  	s16 =	sshra.s32 s15, $0x2;
	s15 =	sadd.s32 $0x40, s15;
	[tilespmem:v3+s11+$0x0] =	vst.idx.add.f32.msk vm0, v2  }
0x21: {  	v3 =	vld [tilespmem:s16+$0x0];
	_ =	sdelay $0x4  }
0x22: {  	v4 =	vsub.s32 v3, v0  }
0x23: {  	v3 =	vand.u32 $0x7F, v3;
	vm0 =	vlt.u32 v4, $0x6400;
	v4 =	vand.u32 $0xFFFFFF80, v4  }
0x24: {  	v3 =	vor.u32 v3, v4;
	_ =	sdelay $0x4  }
0x25: {  	s15 =	simm.s32 $0x0;
	[tilespmem:v3+s11+$0x0] =	vst.idx.add.f32.msk vm0, v2  }
0x26: {  	[tilespmem:s15], [sflag:$0x1] =	stream.linear.gather [hbm4b:s5+s15], $0x1900, $0x38;
	[tilespmem:$0x9600] =	vst v63  }
0x27: {  	_ =	swait.ge [sflag:s12], $0x1900  }
0x28: {  	[sflag:s12] =	ssyncset.done $0x0  }
0x29: {  	s16 =	simm.s32 $0x0;
	s15 =	simm.s32 $0x40;
	[sflag:s12] =	ssyncadd.s32 $0xFFFFE700  }
.LBB2_6:
0x2a: {  	p0 =	sne.s32 s15, $0x63C0;
	v3 =	vld [tilespmem:s16+$0x1900];
	_ =	sdelay $0x4  }
0x2b: {  	v4 =	vsub.s32 v3, v0  }
0x2c: {  	v3 =	vand.u32 $0x7F, v3;
	vm0 =	vlt.u32 v4, $0x6400;
	v4 =	vand.u32 $0xFFFFFF80, v4  }
0x2d: {  	v3 =	vor.u32 v3, v4  }
.Ltmp2:
0x2e: {  	(pc) =	sbr.rel @p0 .LBB2_6-.Ltmp2, $2  }
0x2f: {  	_ =	sdelay $0x2  }
0x30: {  	s16 =	sshra.s32 s15, $0x2;
	s15 =	sadd.s32 $0x40, s15;
	[tilespmem:v3+s11+$0x0] =	vst.idx.add.f32.msk vm0, v2  }
0x31: {  	v3 =	vld [tilespmem:s16+$0x1900];
	_ =	sdelay $0x4  }
0x32: {  	v4 =	vsub.s32 v3, v0  }
0x33: {  	v3 =	vand.u32 $0x7F, v3;
	vm0 =	vlt.u32 v4, $0x6400;
	v4 =	vand.u32 $0xFFFFFF80, v4  }
0x34: {  	v3 =	vor.u32 v3, v4;
	_ =	sdelay $0x4  }
0x35: {  	s15 =	simm.s32 $0x0;
	[tilespmem:v3+s11+$0x0] =	vst.idx.add.f32.msk vm0, v2  }
0x36: {  	[tilespmem:s9], [sflag:$0x2] =	stream.linear.gather [hbm4b:s6+s15], $0x1900, $0x38;
	[tilespmem:$0x9600] =	vst v63  }
0x37: {  	_ =	swait.ge [sflag:s10], $0x1900  }
0x38: {  	[sflag:s10] =	ssyncset.done $0x0  }
0x39: {  	s16 =	simm.s32 $0x0;
	s15 =	simm.s32 $0x40;
	[sflag:s10] =	ssyncadd.s32 $0xFFFFE700  }
.LBB2_8:
0x3a: {  	p0 =	sne.s32 s15, $0x63C0;
	v3 =	vld [tilespmem:s16+$0x0];
	_ =	sdelay $0x4  }
0x3b: {  	v4 =	vsub.s32 v3, v0  }
0x3c: {  	v3 =	vand.u32 $0x7F, v3;
	vm0 =	vlt.u32 v4, $0x6400;
	v4 =	vand.u32 $0xFFFFFF80, v4  }
0x3d: {  	v3 =	vor.u32 v3, v4  }
.Ltmp3:
0x3e: {  	(pc) =	sbr.rel @p0 .LBB2_8-.Ltmp3, $2  }
0x3f: {  	_ =	sdelay $0x2  }
0x40: {  	s16 =	sshra.s32 s15, $0x2;
	s15 =	sadd.s32 $0x40, s15;
	[tilespmem:v3+s11+$0x0] =	vst.idx.add.f32.msk vm0, v2  }
0x41: {  	v3 =	vld [tilespmem:s16+$0x0];
	_ =	sdelay $0x4  }
0x42: {  	v4 =	vsub.s32 v3, v0  }
0x43: {  	v3 =	vand.u32 $0x7F, v3;
	vm0 =	vlt.u32 v4, $0x6400;
	v4 =	vand.u32 $0xFFFFFF80, v4  }
0x44: {  	v3 =	vor.u32 v3, v4;
	_ =	sdelay $0x4  }
0x45: {  	[tilespmem:v3+s11+$0x0] =	vst.idx.add.f32.msk vm0, v2  }
0x46: {  	_ =	swait.ge [sflag:s12], $0x1900  }
0x47: {  	[sflag:s12] =	ssyncset.done $0x0  }
0x48: {  	s16 =	simm.s32 $0x0;
	s15 =	simm.s32 $0x40;
	[sflag:s12] =	ssyncadd.s32 $0xFFFFE700  }
.LBB2_10:
0x49: {  	p0 =	sne.s32 s15, $0x63C0;
	v3 =	vld [tilespmem:s16+$0x1900];
	_ =	sdelay $0x4  }
0x4a: {  	v4 =	vsub.s32 v3, v0  }
0x4b: {  	v3 =	vand.u32 $0x7F, v3;
	vm0 =	vlt.u32 v4, $0x6400;
	v4 =	vand.u32 $0xFFFFFF80, v4  }
0x4c: {  	v3 =	vor.u32 v3, v4  }
.Ltmp4:
0x4d: {  	(pc) =	sbr.rel @p0 .LBB2_10-.Ltmp4, $2  }
0x4e: {  	_ =	sdelay $0x2  }
0x4f: {  	s16 =	sshra.s32 s15, $0x2;
	s15 =	sadd.s32 $0x40, s15;
	[tilespmem:v3+s11+$0x0] =	vst.idx.add.f32.msk vm0, v2  }
0x50: {  	v3 =	vld [tilespmem:s16+$0x1900];
	_ =	sdelay $0x4  }
0x51: {  	v4 =	vsub.s32 v3, v0  }
0x52: {  	v3 =	vand.u32 $0x7F, v3;
	vm0 =	vlt.u32 v4, $0x6400;
	v4 =	vand.u32 $0xFFFFFF80, v4  }
0x53: {  	v3 =	vor.u32 v3, v4;
	_ =	sdelay $0x2  }
0x54: {  	s14 =	sadd.s32 $0x1, s14  }
0x55: {  	p0 =	sne.s32 s14, s8  }
.Ltmp5:
0x56: {  	[tilespmem:v3+s11+$0x0] =	vst.idx.add.f32.msk vm0, v2;
	(pc) =	sbr.rel @p0 .LBB2_1-.Ltmp5, $4  }
0x57: {  	[hbm4b:s7+s2] =	stream.linear.scatter [tilespmem:s11], [sflag:$0x3], $0x6400, $0x38;
	[tilespmem:$0x9600] =	vst v63  }
0x58: {  	_ =	swait.ge [sflag:s13], $0x6400  }
0x59: {  	[sflag:s13] =	ssyncset.done $0x0  }
0x5a: {  	[sflag:s13] =	ssyncadd.s32 $0xFFFF9C00  }
0x5b: {  	_ =	sfence.sel $0x180000  }
0x5c: {  	[bflag:$0x0] =	sbarrier.arrive $0xFFFF  }
0x5d: {  	p0 =	sne.s32 s1, $0x0;
	_ =	strace $0x90000047  }
0x5e: {  	s0 =	sadd.s32 @!p0 $0x100000, s0;
	[bflag:$0x2] =	sbarrier.arrive $0xFFFF  }
0x5f: {  	[sflag:s0] =	ssyncadd.tile.s32 @!p0 $0x1;
	_ =	shalt  }
.Lfunc_end2:
_tile_overlayer_lowered:
.L_overlay_start_2:
0x60: {  	(tag) =	ssettag $0x2  }
0x61: {  	s0 =	rddreg [dreg:$0x0];
	s2 =	stileid.u32  }
0x62: {  	s1 =	rddreg [dreg:$0x1];
	p0 =	sne.s32 s2, $0x0  }
0x63: {  	s3 =	rddreg [dreg:$0x2];
	[bflag:$0x3] =	sbarrier.arrive $0xFFFF;
	s2 =	simm.s32 @!p0 $0x1C03  }
0x64: {  	[timem:s3], [sflag:s2] =	dma.local @!p0 [hbm:s0], s1  }
0x65: {  	s0 =	simm.s32 @!p0 $0x3  }
0x66: {  	_ =	swait.ge @!p0 [sflag:s0], s1  }
0x67: {  	s1 =	ssub.s32 @!p0 $0x0, s1;
	[sflag:s0] =	ssyncset.done @!p0 $0x0  }
0x68: {  	[sflag:s0] =	ssyncadd.s32 @!p0 s1  }
0x69: {  	[bflag:$0x3] =	sbarrier.arrive $0xFFFF  }
0x6a: {  	_ =	shalt  }

</sc_bundles>
